<compile_context>
chip_gen: v7x
topology: tpu7x:2x2x1
jax: 0.10.2.dev20260603
libtpu: 0.0.44.dev20260713+nightly
codegen_flags: <defaults>
</compile_context>

<pallas_src>
import functools

import jax
import jax.numpy as jnp
from jax import lax
from jax.experimental import pallas as pl
from jax.experimental.pallas import tpu as pltpu
from jax.experimental.pallas import tpu_sc as plsc

B = 1024
L = 20
S = 10
D = 128
VS_PAD = 64
MARGIN = 1.0

NIDS = B + 2 * B * L
NW = 32
CHUNK = 128
CPW = 11
NIDS_PAD = NW * CPW * CHUNK

BB = 64
NBLK = B // BB
R2 = BB * L


def _sc_gather(table, ids_pad):
    mesh = plsc.VectorSubcoreMesh(core_axis_name="c", subcore_axis_name="s")
    ipw = CPW * CHUNK

    nbuf = 6
    lag = 3

    @functools.partial(
        pl.kernel,
        mesh=mesh,
        out_type=jax.ShapeDtypeStruct((NIDS_PAD, D), jnp.float32),
        scratch_types=[
            pltpu.VMEM((ipw,), jnp.int32),
            pltpu.VMEM((nbuf, CHUNK, D), jnp.float32),
            pltpu.SemaphoreType.DMA((nbuf,)),
            pltpu.SemaphoreType.DMA((nbuf,)),
        ],
    )
    def k(table_hbm, idx_hbm, out_hbm, idx_v, rows_v, gsem, osem):
        wid = lax.axis_index("s") * 2 + lax.axis_index("c")
        pltpu.sync_copy(idx_hbm.at[pl.ds(wid * ipw, ipw)], idx_v)

        gh = [None] * CPW
        oh = [None] * CPW

        def start_gather(g):
            b = g % nbuf
            gh[g] = pltpu.async_copy(
                table_hbm.at[idx_v.at[pl.ds(g * CHUNK, CHUNK)]],
                rows_v.at[b], gsem.at[b])

        def start_copyout(g):
            b = g % nbuf
            gh[g].wait()
            oh[g] = pltpu.async_copy(
                rows_v.at[b], out_hbm.at[pl.ds(wid * ipw + g * CHUNK, CHUNK)],
                osem.at[b])

        for g in range(CPW):
            if g - nbuf >= 0:
                oh[g - nbuf].wait()
            start_gather(g)
            if g - lag >= 0:
                start_copyout(g - lag)
        for g in range(CPW - lag, CPW):
            start_copyout(g)
        for g in range(max(0, CPW - nbuf), CPW):
            if oh[g] is not None:
                oh[g].wait()

    return k(table, ids_pad)


def _softplus(x):
    return jnp.maximum(x, 0.0) + jnp.log(1.0 + jnp.exp(-jnp.abs(x)))


def _tc1_body(csid_ref, ncf_ref, sidx_ctx_ref, px_ctx_ref,
              sidx_neg_ref, px_neg_ref, wmu_b_ref, wsig_b_ref,
              b_mu_ref, b_sig_ref, sec_pad_ref, sec_t_ref,
              musec_ctx_ref, musec_neg_ref, ssig_ctx_ref, ssig_neg_ref,
              cen_ref):
    f32 = jnp.float32
    bi = lax.broadcasted_iota
    G640 = S * VS_PAD

    def mm(a, b):
        return jnp.dot(a, b, preferred_element_type=f32)

    sec_mu_tab = mm(sec_pad_ref[...], wmu_b_ref[...])
    tab2 = jnp.concatenate([sec_mu_tab, sec_mu_tab], axis=0)
    sec_sig_row = mm(wsig_b_ref[...], sec_t_ref[...]) + b_sig_ref[...]
    secs640 = jnp.concatenate([sec_sig_row] * S, axis=1)
    b_mu = b_mu_ref[...]

    exp_m = (bi(jnp.int32, (S, G640), 0)
             == bi(jnp.int32, (S, G640), 1) // VS_PAD).astype(f32)
    sel_m = (bi(jnp.int32, (G640, S), 0) // VS_PAD
             == bi(jnp.int32, (G640, S), 1)).astype(f32)
    viota = (bi(jnp.int32, (1, G640), 1) % VS_PAD).astype(f32)

    def marginal(sidx_ref, px_ref, musec_ref, ssig_ref):
        sidx = sidx_ref[...]
        px = px_ref[...]
        sid_spread = mm(sidx, exp_m)
        p_spread = mm(px, exp_m)
        eq = sid_spread == viota
        ohp640 = jnp.where(eq, p_spread, 0.0)
        hotss = jnp.where(eq, secs640, 0.0)
        ssig_ref[...] = mm(hotss, sel_m)
        ohp = (ohp640[:, 0:128] + ohp640[:, 128:256]
               + ohp640[:, 256:384] + ohp640[:, 384:512]
               + ohp640[:, 512:640])
        musec_ref[...] = b_mu + mm(ohp, tab2)

    marginal(sidx_ctx_ref, px_ctx_ref, musec_ctx_ref, ssig_ctx_ref)
    marginal(sidx_neg_ref, px_neg_ref, musec_neg_ref, ssig_neg_ref)

    csid = csid_ref[...]
    hot_c = (csid == bi(jnp.int32, (BB, VS_PAD), 1)).astype(f32)
    cen_ref[:, 0:D] = mm(hot_c, sec_mu_tab)
    cen_ref[:, D:D + 1] = mm(hot_c * sec_sig_row,
                             jnp.ones((VS_PAD, 1), f32))
    cen_ref[:, D + 1:D + 2] = ncf_ref[...]


def _tc2_body(tok_c_ref, tok_ctx_ref, tok_neg_ref,
              musec_ctx_ref, musec_neg_ref, ssig_ctx_ref, ssig_neg_ref,
              px_ctx_ref, px_neg_ref, cen_ref,
              wmu_t_ref, wsig_t_ref, b_mu_ref, out_ref):
    i = pl.program_id(0)
    f32 = jnp.float32
    bi = lax.broadcasted_iota

    def mm(a, b):
        return jnp.dot(a, b, preferred_element_type=f32)

    wmu_t16 = wmu_t_ref[...].astype(jnp.bfloat16)
    wsig_t = wsig_t_ref[...]
    onesD = jnp.ones((D, 1), f32)
    onesS = jnp.ones((S, 1), f32)

    tok_c = tok_c_ref[...]
    cen = cen_ref[...]
    mu_c = (mm(tok_c.astype(jnp.bfloat16), wmu_t16)
            + cen[:, 0:D] + b_mu_ref[...])
    sq = _softplus(mm(tok_c, wsig_t) + cen[:, D:D + 1])

    rowb = bi(jnp.int32, (R2, 1), 0) // L
    rep = (rowb == bi(jnp.int32, (R2, BB), 1)).astype(f32)
    mu_cf = mm(rep, mu_c)
    sqf = mm(rep, sq)
    ncf = mm(rep, cen[:, D + 1:D + 2])

    def finish(tok_ref, musec_ref, ssig_ref, px_ref):
        tok = tok_ref[...]
        mu = mm(tok.astype(jnp.bfloat16), wmu_t16) + musec_ref[...]
        tsig = mm(tok, wsig_t)
        ts = mm(tsig, jnp.ones((1, S), f32))
        sig = mm(px_ref[...] * _softplus(ts + ssig_ref[...]), onesS) + 0.001
        return mu, sig

    mu_p, sig_p = finish(tok_ctx_ref, musec_ctx_ref, ssig_ctx_ref, px_ctx_ref)
    mu_n, sig_n = finish(tok_neg_ref, musec_neg_ref, ssig_neg_ref, px_neg_ref)

    dsq = D * sqf * sqf
    dp = mu_cf - mu_p
    dn = mu_cf - mu_n
    ssp = mm(dp * dp, onesD)
    ssn = mm(dn * dn, onesD)
    kld = (D * (jnp.log(sig_p) - jnp.log(sig_n))
           + (dsq + ssp) / (2.0 * sig_p * sig_p)
           - (dsq + ssn) / (2.0 * sig_n * sig_n))
    hinge = jnp.maximum(kld + MARGIN, 0.0)
    lidx = (bi(jnp.int32, (R2, 1), 0) % L).astype(f32)
    hinge = jnp.where(lidx >= ncf, 0.0, hinge)

    @pl.when(i == 0)
    def _():
        out_ref[...] = jnp.zeros((1, 1), f32)

    out_ref[...] += jnp.sum(hinge, keepdims=True) * (1.0 / B)


def kernel(center_ids, center_section_ids, context_ids, context_section_ids,
           neg_ids, neg_section_ids, num_contexts, context_section_p,
           neg_section_p, token_emb, section_emb, W_mu, b_mu, W_sigma,
           b_sigma):
    i32 = jnp.int32
    f32 = jnp.float32

    ids_all = jnp.concatenate([
        context_ids.reshape(-1).astype(i32),
        neg_ids.reshape(-1).astype(i32),
        center_ids.astype(i32),
        jnp.zeros((NIDS_PAD - NIDS,), i32),
    ])

    rows = _sc_gather(token_emb.astype(f32), ids_all)

    csid2 = center_section_ids.astype(i32).reshape(B, 1)
    ncf2 = num_contexts.astype(f32).reshape(B, 1)
    sidx_ctx = context_section_ids.astype(f32).reshape(B * L, S)
    px_ctx = context_section_p.astype(f32).reshape(B * L, S)
    sidx_neg = neg_section_ids.astype(f32).reshape(B * L, S)
    px_neg = neg_section_p.astype(f32).reshape(B * L, S)

    wmu_t = W_mu[:D]
    wmu_b = W_mu[D:]
    wsig_t = W_sigma[:D]
    wsig_b = W_sigma[D:, 0].reshape(1, D)
    b_mu2 = b_mu.reshape(1, D)
    b_sig2 = b_sigma.reshape(1, 1)
    sec_pad = jnp.concatenate(
        [section_emb.astype(f32),
         jnp.zeros((VS_PAD - section_emb.shape[0], D), f32)], axis=0)
    sec_t = jnp.transpose(sec_pad)

    full = lambda shape: pl.BlockSpec(shape, lambda i: (0,) * len(shape))
    bspec = lambda shape: pl.BlockSpec(shape, lambda i: (i, 0))

    musec_ctx, musec_neg, ssig_ctx, ssig_neg, cen = pl.pallas_call(
        _tc1_body,
        grid=(NBLK,),
        in_specs=[
            bspec((BB, 1)), bspec((BB, 1)),
            bspec((R2, S)), bspec((R2, S)), bspec((R2, S)), bspec((R2, S)),
            full((D, D)), full((1, D)), full((1, D)), full((1, 1)),
            full((VS_PAD, D)), full((D, VS_PAD)),
        ],
        out_specs=[bspec((R2, D)), bspec((R2, D)),
                   bspec((R2, S)), bspec((R2, S)), bspec((BB, D + 2))],
        out_shape=[
            jax.ShapeDtypeStruct((B * L, D), f32),
            jax.ShapeDtypeStruct((B * L, D), f32),
            jax.ShapeDtypeStruct((B * L, S), f32),
            jax.ShapeDtypeStruct((B * L, S), f32),
            jax.ShapeDtypeStruct((B, D + 2), f32),
        ],
    )(csid2, ncf2, sidx_ctx, px_ctx, sidx_neg, px_neg,
      wmu_b, wsig_b, b_mu2, b_sig2, sec_pad, sec_t)

    out = pl.pallas_call(
        _tc2_body,
        grid=(NBLK,),
        in_specs=[
            pl.BlockSpec((BB, D), lambda i: (2 * B * L // BB + i, 0)),
            pl.BlockSpec((R2, D), lambda i: (i, 0)),
            pl.BlockSpec((R2, D), lambda i: (B * L // R2 + i, 0)),
            bspec((R2, D)), bspec((R2, D)),
            bspec((R2, S)), bspec((R2, S)),
            bspec((R2, S)), bspec((R2, S)),
            bspec((BB, D + 2)),
            full((D, D)), full((D, 1)), full((1, D)),
        ],
        out_specs=pl.BlockSpec((1, 1), lambda i: (0, 0)),
        out_shape=jax.ShapeDtypeStruct((1, 1), f32),
    )(rows, rows, rows, musec_ctx, musec_neg, ssig_ctx, ssig_neg,
      px_ctx, px_neg, cen, wmu_t, wsig_t, b_mu2)

    return out[0, 0]

# --- scband reference (transcript-rebuilt; emitter-appended) ---
"""Pipeline reference for scband-lmc-70566312673946 (READ-ONLY COPY).

The authoritative reference and input builder live on the scoring server;
editing this copy changes nothing except your own understanding.
"""

import jax, jax.numpy as jnp
import numpy as np

B = 1024
L = 20
S = 10
VT = 100000
VS = 50
D = 128
MARGIN = 1.0


def setup_inputs(seed: int = 0):
    key = jax.random.key(seed)
    ks = jax.random.split(key, 16)
    center_ids = jax.random.randint(ks[0], (B,), 0, VT)
    center_section_ids = jax.random.randint(ks[1], (B,), 0, VS)
    context_ids = jax.random.randint(ks[2], (B, L), 0, VT)
    context_section_ids = jax.random.randint(ks[3], (B, L, S), 0, VS)
    neg_ids = jax.random.randint(ks[4], (B, L), 0, VT)
    neg_section_ids = jax.random.randint(ks[5], (B, L, S), 0, VS)
    num_contexts = jax.random.randint(ks[6], (B,), 1, L + 1)
    cp = jax.random.uniform(ks[7], (B, L, S), dtype=jnp.float32) + 1e-3
    context_section_p = cp / cp.sum(-1, keepdims=True)
    npv = jax.random.uniform(ks[8], (B, L, S), dtype=jnp.float32) + 1e-3
    neg_section_p = npv / npv.sum(-1, keepdims=True)
    token_emb = jax.random.normal(ks[9], (VT, D), dtype=jnp.float32) * 0.1
    section_emb = jax.random.normal(ks[10], (VS, D), dtype=jnp.float32) * 0.1
    W_mu = jax.random.normal(ks[11], (2 * D, D), dtype=jnp.float32) * 0.05
    b_mu = jnp.zeros((D,), jnp.float32)
    W_sigma = jax.random.normal(ks[12], (2 * D, 1), dtype=jnp.float32) * 0.05
    b_sigma = jnp.zeros((1,), jnp.float32)
    return {
        'center_ids': center_ids,
        'center_section_ids': center_section_ids,
        'context_ids': context_ids,
        'context_section_ids': context_section_ids,
        'neg_ids': neg_ids,
        'neg_section_ids': neg_section_ids,
        'num_contexts': num_contexts,
        'context_section_p': context_section_p,
        'neg_section_p': neg_section_p,
        'token_emb': token_emb,
        'section_emb': section_emb,
        'W_mu': W_mu,
        'b_mu': b_mu,
        'W_sigma': W_sigma,
        'b_sigma': b_sigma,
    }


def _encoder(token_emb, section_emb, W_mu, b_mu, W_sigma, b_sigma, ids, sids):
    e_tok = jnp.take(token_emb, ids, axis=0)
    e_sec = jnp.take(section_emb, sids, axis=0)
    e = jnp.concatenate([e_tok, e_sec], axis=-1)
    mu = e @ W_mu + b_mu
    sigma = jax.nn.softplus(e @ W_sigma + b_sigma)
    return mu, sigma


def _compute_kl(mu_q, sigma_q, mu_p, sigma_p):
    d = mu_q.shape[-1]
    sq = sigma_q[..., 0]
    sp = sigma_p[..., 0]
    return d * (jnp.log(sp) - jnp.log(sq)) + (d * sq ** 2 + ((mu_q - mu_p) ** 2).sum(-1)) / (2.0 * sp ** 2) - 0.5 * d


def reference(center_ids, center_section_ids, context_ids, context_section_ids, neg_ids, neg_section_ids, num_contexts, context_section_p, neg_section_p, token_emb, section_emb, W_mu, b_mu, W_sigma, b_sigma):
    enc = lambda ids, sids: _encoder(token_emb, section_emb, W_mu, b_mu, W_sigma, b_sigma, ids, sids)

    def marginal(ids, sids, p):
        ids_t = jnp.broadcast_to(ids[:, :, None], sids.shape)
        mu_m, sig_m = enc(ids_t, sids)
        p = p[..., None]
        mu = (p * mu_m).sum(2)
        sigma = (p * sig_m).sum(2)
        return mu, sigma + 0.001

    Bn, Ln = context_ids.shape
    mask = jnp.arange(Ln)[None, :] >= num_contexts[:, None]
    mu_c, sig_c = enc(center_ids, center_section_ids)
    mu_cf = jnp.broadcast_to(mu_c[:, None, :], (Bn, Ln, mu_c.shape[-1])).reshape(Bn * Ln, -1)
    sig_cf = jnp.broadcast_to(sig_c[:, None, :], (Bn, Ln, sig_c.shape[-1])).reshape(Bn * Ln, -1)
    mu_p, sig_p = marginal(context_ids, context_section_ids, context_section_p)
    mu_n, sig_n = marginal(neg_ids, neg_section_ids, neg_section_p)
    kl_pos = _compute_kl(mu_cf, sig_cf, mu_p.reshape(Bn * Ln, -1), sig_p.reshape(Bn * Ln, -1)).reshape(Bn, Ln)
    kl_neg = _compute_kl(mu_cf, sig_cf, mu_n.reshape(Bn * Ln, -1), sig_n.reshape(Bn * Ln, -1)).reshape(Bn, Ln)
    hinge = jnp.maximum(kl_pos - kl_neg + MARGIN, 0.0)
    hinge = jnp.where(mask, 0.0, hinge)
    return hinge.sum(1).mean()

if __name__ == "__main__":
    import jax
    _d = setup_inputs()
    print(jax.jit(kernel)(*tuple(_d.values())))

</pallas_src>

<mosaic_0001>
#map = affine_map<(d0, d1) -> (0, 0)>
#map1 = affine_map<(d0, d1) -> (0)>
module attributes {stable_mosaic.version = 14 : i64} {
  func.func @k(%arg0: i32, %arg1: i32, %arg2: memref<100000x128xf32, #tpu.memory_space<hbm>>, %arg3: memref<45056xi32, #tpu.memory_space<hbm>>, %arg4: memref<45056x128xf32, #tpu.memory_space<hbm>>, %arg5: memref<1408xi32, #tpu.memory_space<vmem>>, %arg6: memref<6x128x128xf32, #tpu.memory_space<vmem>>, %arg7: memref<6x!tpu.dma_semaphore, #tpu.memory_space<semaphore_mem>>, %arg8: memref<6x!tpu.dma_semaphore, #tpu.memory_space<semaphore_mem>>) attributes {dimension_semantics = [#tpu.dimension_semantics<core_parallel>, #tpu.dimension_semantics<subcore_parallel>], iteration_bounds = array<i64: 2, 16>, scalar_prefetch = 0 : i64, scratch_operands = 4 : i64, tpu.core_type = #tpu.core_type<sc_vector_subcore>, window_params = [{transform_indices = #map}, {transform_indices = #map1}, {transform_indices = #map}]} {
    %mul3A = arith.constant 2 : i32
    %mul3A_0 = arith.muli %arg1, %mul3A : i32
    %add3A = arith.addi %mul3A_0, %arg0 : i32
    %mul3A_1 = arith.constant 1408 : i32
    %mul3A_2 = arith.muli %add3A, %mul3A_1 : i32
    "tpu.region"() ({
      %run_scoped3A = tpu.sem_alloc : memref<!tpu.dma_semaphore, #tpu.memory_space<semaphore_mem>>
      %dma_start3A_683 = tpu.memref_slice %arg3[%mul3A_2] : memref<45056xi32, #tpu.memory_space<hbm>> -> memref<1408xi32, #tpu.memory_space<hbm>>
      %dma_start3A_684 = tpu.memref_slice %arg3[%mul3A_2] : memref<45056xi32, #tpu.memory_space<hbm>> -> memref<1408xi32, #tpu.memory_space<hbm>>
      tpu.enqueue_dma source(%dma_start3A_684 : memref<1408xi32, #tpu.memory_space<hbm>>) target(%arg5 : memref<1408xi32, #tpu.memory_space<vmem>>) target_semaphore(%run_scoped3A : memref<!tpu.dma_semaphore, #tpu.memory_space<semaphore_mem>>)
      %dma_wait3A_685 = tpu.memref_slice %arg3[%mul3A_2] : memref<45056xi32, #tpu.memory_space<hbm>> -> memref<1408xi32, #tpu.memory_space<hbm>>
      %dma_wait3A_686 = tpu.memref_slice %arg3[%mul3A_2] : memref<45056xi32, #tpu.memory_space<hbm>> -> memref<1408xi32, #tpu.memory_space<hbm>>
      tpu.wait_dma2 semaphore(%run_scoped3A : memref<!tpu.dma_semaphore, #tpu.memory_space<semaphore_mem>>) src(%dma_wait3A_686 : memref<1408xi32, #tpu.memory_space<hbm>>) dst(%arg5 : memref<1408xi32, #tpu.memory_space<vmem>>)
      tpu.yield
    }) : () -> ()
    %dma_start3A = arith.constant 0 : i32
    %dma_start3A_3 = arith.constant 0 : i32
    %dma_start3A_4 = arith.constant 0 : i32
    %dma_start3A_5 = arith.constant 0 : i32
    %dma_start3A_6 = tpu.memref_slice %arg6[%dma_start3A, %dma_start3A_4, %dma_start3A_5] : memref<6x128x128xf32, #tpu.memory_space<vmem>> -> memref<1x128x128xf32, #tpu.memory_space<vmem>>
    %dma_start3A_7 = tpu.memref_squeeze %dma_start3A_6 : memref<1x128x128xf32, #tpu.memory_space<vmem>> -> memref<128x128xf32, #tpu.memory_space<vmem>>
    %dma_start3A_8 = arith.constant 0 : i32
    %dma_start3A_9 = tpu.memref_slice %arg5[%dma_start3A_8] : memref<1408xi32, #tpu.memory_space<vmem>> -> memref<128xi32, #tpu.memory_space<vmem>>
    %dma_start3A_10 = arith.constant 0 : i32
    %dma_start3A_11 = arith.constant 0 : i32
    %dma_start3A_12 = tpu.memref_slice %arg2[%dma_start3A_10, %dma_start3A_11] : memref<100000x128xf32, #tpu.memory_space<hbm>> -> memref<100000x128xf32, #tpu.memory_space<hbm>>
    %dma_start3A_13 = tpu.memref_slice %arg7[%dma_start3A_3] : memref<6x!tpu.dma_semaphore, #tpu.memory_space<semaphore_mem>> -> memref<1x!tpu.dma_semaphore, #tpu.memory_space<semaphore_mem>>
    %dma_start3A_14 = tpu.memref_squeeze %dma_start3A_13 : memref<1x!tpu.dma_semaphore, #tpu.memory_space<semaphore_mem>> -> memref<!tpu.dma_semaphore, #tpu.memory_space<semaphore_mem>>
    tpu.enqueue_indirect_dma source(%dma_start3A_12 : memref<100000x128xf32, #tpu.memory_space<hbm>>) target(%dma_start3A_7 : memref<128x128xf32, #tpu.memory_space<vmem>>) offsets(%dma_start3A_9 : memref<128xi32, #tpu.memory_space<vmem>>) semaphore(%dma_start3A_14 : memref<!tpu.dma_semaphore, #tpu.memory_space<semaphore_mem>>)
    %dma_start3A_15 = arith.constant 1 : i32
    %dma_start3A_16 = arith.constant 1 : i32
    %dma_start3A_17 = arith.constant 0 : i32
    %dma_start3A_18 = arith.constant 0 : i32
    %dma_start3A_19 = tpu.memref_slice %arg6[%dma_start3A_15, %dma_start3A_17, %dma_start3A_18] : memref<6x128x128xf32, #tpu.memory_space<vmem>> -> memref<1x128x128xf32, #tpu.memory_space<vmem>>
    %dma_start3A_20 = tpu.memref_squeeze %dma_start3A_19 : memref<1x128x128xf32, #tpu.memory_space<vmem>> -> memref<128x128xf32, #tpu.memory_space<vmem>>
    %dma_start3A_21 = arith.constant 128 : i32
    %dma_start3A_22 = tpu.memref_slice %arg5[%dma_start3A_21] : memref<1408xi32, #tpu.memory_space<vmem>> -> memref<128xi32, #tpu.memory_space<vmem>>
    %dma_start3A_23 = arith.constant 0 : i32
    %dma_start3A_24 = arith.constant 0 : i32
    %dma_start3A_25 = tpu.memref_slice %arg2[%dma_start3A_23, %dma_start3A_24] : memref<100000x128xf32, #tpu.memory_space<hbm>> -> memref<100000x128xf32, #tpu.memory_space<hbm>>
    %dma_start3A_26 = tpu.memref_slice %arg7[%dma_start3A_16] : memref<6x!tpu.dma_semaphore, #tpu.memory_space<semaphore_mem>> -> memref<1x!tpu.dma_semaphore, #tpu.memory_space<semaphore_mem>>
    %dma_start3A_27 = tpu.memref_squeeze %dma_start3A_26 : memref<1x!tpu.dma_semaphore, #tpu.memory_space<semaphore_mem>> -> memref<!tpu.dma_semaphore, #tpu.memory_space<semaphore_mem>>
    tpu.enqueue_indirect_dma source(%dma_start3A_25 : memref<100000x128xf32, #tpu.memory_space<hbm>>) target(%dma_start3A_20 : memref<128x128xf32, #tpu.memory_space<vmem>>) offsets(%dma_start3A_22 : memref<128xi32, #tpu.memory_space<vmem>>) semaphore(%dma_start3A_27 : memref<!tpu.dma_semaphore, #tpu.memory_space<semaphore_mem>>)
    %dma_start3A_28 = arith.constant 2 : i32
    %dma_start3A_29 = arith.constant 2 : i32
    %dma_start3A_30 = arith.constant 0 : i32
    %dma_start3A_31 = arith.constant 0 : i32
    %dma_start3A_32 = tpu.memref_slice %arg6[%dma_start3A_28, %dma_start3A_30, %dma_start3A_31] : memref<6x128x128xf32, #tpu.memory_space<vmem>> -> memref<1x128x128xf32, #tpu.memory_space<vmem>>
    %dma_start3A_33 = tpu.memref_squeeze %dma_start3A_32 : memref<1x128x128xf32, #tpu.memory_space<vmem>> -> memref<128x128xf32, #tpu.memory_space<vmem>>
    %dma_start3A_34 = arith.constant 256 : i32
    %dma_start3A_35 = tpu.memref_slice %arg5[%dma_start3A_34] : memref<1408xi32, #tpu.memory_space<vmem>> -> memref<128xi32, #tpu.memory_space<vmem>>
    %dma_start3A_36 = arith.constant 0 : i32
    %dma_start3A_37 = arith.constant 0 : i32
    %dma_start3A_38 = tpu.memref_slice %arg2[%dma_start3A_36, %dma_start3A_37] : memref<100000x128xf32, #tpu.memory_space<hbm>> -> memref<100000x128xf32, #tpu.memory_space<hbm>>
    %dma_start3A_39 = tpu.memref_slice %arg7[%dma_start3A_29] : memref<6x!tpu.dma_semaphore, #tpu.memory_space<semaphore_mem>> -> memref<1x!tpu.dma_semaphore, #tpu.memory_space<semaphore_mem>>
    %dma_start3A_40 = tpu.memref_squeeze %dma_start3A_39 : memref<1x!tpu.dma_semaphore, #tpu.memory_space<semaphore_mem>> -> memref<!tpu.dma_semaphore, #tpu.memory_space<semaphore_mem>>
    tpu.enqueue_indirect_dma source(%dma_start3A_38 : memref<100000x128xf32, #tpu.memory_space<hbm>>) target(%dma_start3A_33 : memref<128x128xf32, #tpu.memory_space<vmem>>) offsets(%dma_start3A_35 : memref<128xi32, #tpu.memory_space<vmem>>) semaphore(%dma_start3A_40 : memref<!tpu.dma_semaphore, #tpu.memory_space<semaphore_mem>>)
    %dma_start3A_41 = arith.constant 3 : i32
    %dma_start3A_42 = arith.constant 3 : i32
    %dma_start3A_43 = arith.constant 0 : i32
    %dma_start3A_44 = arith.constant 0 : i32
    %dma_start3A_45 = tpu.memref_slice %arg6[%dma_start3A_41, %dma_start3A_43, %dma_start3A_44] : memref<6x128x128xf32, #tpu.memory_space<vmem>> -> memref<1x128x128xf32, #tpu.memory_space<vmem>>
    %dma_start3A_46 = tpu.memref_squeeze %dma_start3A_45 : memref<1x128x128xf32, #tpu.memory_space<vmem>> -> memref<128x128xf32, #tpu.memory_space<vmem>>
    %dma_start3A_47 = arith.constant 384 : i32
    %dma_start3A_48 = tpu.memref_slice %arg5[%dma_start3A_47] : memref<1408xi32, #tpu.memory_space<vmem>> -> memref<128xi32, #tpu.memory_space<vmem>>
    %dma_start3A_49 = arith.constant 0 : i32
    %dma_start3A_50 = arith.constant 0 : i32
    %dma_start3A_51 = tpu.memref_slice %arg2[%dma_start3A_49, %dma_start3A_50] : memref<100000x128xf32, #tpu.memory_space<hbm>> -> memref<100000x128xf32, #tpu.memory_space<hbm>>
    %dma_start3A_52 = tpu.memref_slice %arg7[%dma_start3A_42] : memref<6x!tpu.dma_semaphore, #tpu.memory_space<semaphore_mem>> -> memref<1x!tpu.dma_semaphore, #tpu.memory_space<semaphore_mem>>
    %dma_start3A_53 = tpu.memref_squeeze %dma_start3A_52 : memref<1x!tpu.dma_semaphore, #tpu.memory_space<semaphore_mem>> -> memref<!tpu.dma_semaphore, #tpu.memory_space<semaphore_mem>>
    tpu.enqueue_indirect_dma source(%dma_start3A_51 : memref<100000x128xf32, #tpu.memory_space<hbm>>) target(%dma_start3A_46 : memref<128x128xf32, #tpu.memory_space<vmem>>) offsets(%dma_start3A_48 : memref<128xi32, #tpu.memory_space<vmem>>) semaphore(%dma_start3A_53 : memref<!tpu.dma_semaphore, #tpu.memory_space<semaphore_mem>>)
    %dma_wait3A = arith.constant 0 : i32
    %dma_wait3A_54 = arith.constant 0 : i32
    %dma_wait3A_55 = arith.constant 0 : i32
    %dma_wait3A_56 = arith.constant 0 : i32
    %dma_wait3A_57 = tpu.memref_slice %arg6[%dma_wait3A, %dma_wait3A_55, %dma_wait3A_56] : memref<6x128x128xf32, #tpu.memory_space<vmem>> -> memref<1x128x128xf32, #tpu.memory_space<vmem>>
    %dma_wait3A_58 = tpu.memref_squeeze %dma_wait3A_57 : memref<1x128x128xf32, #tpu.memory_space<vmem>> -> memref<128x128xf32, #tpu.memory_space<vmem>>
    %dma_wait3A_59 = arith.constant 0 : i32
    %dma_wait3A_60 = tpu.memref_slice %arg5[%dma_wait3A_59] : memref<1408xi32, #tpu.memory_space<vmem>> -> memref<128xi32, #tpu.memory_space<vmem>>
    %dma_wait3A_61 = arith.constant 0 : i32
    %dma_wait3A_62 = arith.constant 0 : i32
    %dma_wait3A_63 = tpu.memref_slice %arg2[%dma_wait3A_61, %dma_wait3A_62] : memref<100000x128xf32, #tpu.memory_space<hbm>> -> memref<100000x128xf32, #tpu.memory_space<hbm>>
    %dma_wait3A_64 = tpu.memref_slice %arg7[%dma_wait3A_54] : memref<6x!tpu.dma_semaphore, #tpu.memory_space<semaphore_mem>> -> memref<1x!tpu.dma_semaphore, #tpu.memory_space<semaphore_mem>>
    %dma_wait3A_65 = tpu.memref_squeeze %dma_wait3A_64 : memref<1x!tpu.dma_semaphore, #tpu.memory_space<semaphore_mem>> -> memref<!tpu.dma_semaphore, #tpu.memory_space<semaphore_mem>>
    tpu.wait_indirect_dma semaphore(%dma_wait3A_65 : memref<!tpu.dma_semaphore, #tpu.memory_space<semaphore_mem>>) src(%dma_wait3A_63 : memref<100000x128xf32, #tpu.memory_space<hbm>>) dst(%dma_wait3A_58 : memref<128x128xf32, #tpu.memory_space<vmem>>)
    %mul3A_66 = arith.constant 1408 : i32
    %mul3A_67 = arith.muli %add3A, %mul3A_66 : i32
    %add3A_68 = arith.constant 0 : i32
    %add3A_69 = arith.addi %mul3A_67, %add3A_68 : i32
    %dma_start3A_70 = arith.constant 0 : i32
    %dma_start3A_71 = arith.constant 0 : i32
    %dma_start3A_72 = arith.constant 0 : i32
    %dma_start3A_73 = arith.constant 0 : i32
    %dma_start3A_74 = tpu.memref_slice %arg6[%dma_start3A_70, %dma_start3A_72, %dma_start3A_73] : memref<6x128x128xf32, #tpu.memory_space<vmem>> -> memref<1x128x128xf32, #tpu.memory_space<vmem>>
    %dma_start3A_75 = tpu.memref_squeeze %dma_start3A_74 : memref<1x128x128xf32, #tpu.memory_space<vmem>> -> memref<128x128xf32, #tpu.memory_space<vmem>>
    %dma_start3A_76 = arith.constant 0 : i32
    %dma_start3A_77 = tpu.memref_slice %arg4[%add3A_69, %dma_start3A_76] : memref<45056x128xf32, #tpu.memory_space<hbm>> -> memref<128x128xf32, #tpu.memory_space<hbm>>
    %dma_start3A_78 = tpu.memref_slice %arg8[%dma_start3A_71] : memref<6x!tpu.dma_semaphore, #tpu.memory_space<semaphore_mem>> -> memref<1x!tpu.dma_semaphore, #tpu.memory_space<semaphore_mem>>
    %dma_start3A_79 = tpu.memref_squeeze %dma_start3A_78 : memref<1x!tpu.dma_semaphore, #tpu.memory_space<semaphore_mem>> -> memref<!tpu.dma_semaphore, #tpu.memory_space<semaphore_mem>>
    %dma_start3A_80 = arith.constant 0 : i32
    %dma_start3A_81 = tpu.memref_slice %arg4[%add3A_69, %dma_start3A_80] : memref<45056x128xf32, #tpu.memory_space<hbm>> -> memref<128x128xf32, #tpu.memory_space<hbm>>
    %dma_start3A_82 = arith.constant 0 : i32
    %dma_start3A_83 = arith.constant 0 : i32
    %dma_start3A_84 = tpu.memref_slice %arg6[%dma_start3A_70, %dma_start3A_82, %dma_start3A_83] : memref<6x128x128xf32, #tpu.memory_space<vmem>> -> memref<1x128x128xf32, #tpu.memory_space<vmem>>
    %dma_start3A_85 = tpu.memref_squeeze %dma_start3A_84 : memref<1x128x128xf32, #tpu.memory_space<vmem>> -> memref<128x128xf32, #tpu.memory_space<vmem>>
    tpu.enqueue_dma source(%dma_start3A_85 : memref<128x128xf32, #tpu.memory_space<vmem>>) target(%dma_start3A_81 : memref<128x128xf32, #tpu.memory_space<hbm>>) target_semaphore(%dma_start3A_79 : memref<!tpu.dma_semaphore, #tpu.memory_space<semaphore_mem>>)
    %dma_start3A_86 = arith.constant 4 : i32
    %dma_start3A_87 = arith.constant 4 : i32
    %dma_start3A_88 = arith.constant 0 : i32
    %dma_start3A_89 = arith.constant 0 : i32
    %dma_start3A_90 = tpu.memref_slice %arg6[%dma_start3A_86, %dma_start3A_88, %dma_start3A_89] : memref<6x128x128xf32, #tpu.memory_space<vmem>> -> memref<1x128x128xf32, #tpu.memory_space<vmem>>
    %dma_start3A_91 = tpu.memref_squeeze %dma_start3A_90 : memref<1x128x128xf32, #tpu.memory_space<vmem>> -> memref<128x128xf32, #tpu.memory_space<vmem>>
    %dma_start3A_92 = arith.constant 512 : i32
    %dma_start3A_93 = tpu.memref_slice %arg5[%dma_start3A_92] : memref<1408xi32, #tpu.memory_space<vmem>> -> memref<128xi32, #tpu.memory_space<vmem>>
    %dma_start3A_94 = arith.constant 0 : i32
    %dma_start3A_95 = arith.constant 0 : i32
    %dma_start3A_96 = tpu.memref_slice %arg2[%dma_start3A_94, %dma_start3A_95] : memref<100000x128xf32, #tpu.memory_space<hbm>> -> memref<100000x128xf32, #tpu.memory_space<hbm>>
    %dma_start3A_97 = tpu.memref_slice %arg7[%dma_start3A_87] : memref<6x!tpu.dma_semaphore, #tpu.memory_space<semaphore_mem>> -> memref<1x!tpu.dma_semaphore, #tpu.memory_space<semaphore_mem>>
    %dma_start3A_98 = tpu.memref_squeeze %dma_start3A_97 : memref<1x!tpu.dma_semaphore, #tpu.memory_space<semaphore_mem>> -> memref<!tpu.dma_semaphore, #tpu.memory_space<semaphore_mem>>
    tpu.enqueue_indirect_dma source(%dma_start3A_96 : memref<100000x128xf32, #tpu.memory_space<hbm>>) target(%dma_start3A_91 : memref<128x128xf32, #tpu.memory_space<vmem>>) offsets(%dma_start3A_93 : memref<128xi32, #tpu.memory_space<vmem>>) semaphore(%dma_start3A_98 : memref<!tpu.dma_semaphore, #tpu.memory_space<semaphore_mem>>)
    %dma_wait3A_99 = arith.constant 1 : i32
    %dma_wait3A_100 = arith.constant 1 : i32
    %dma_wait3A_101 = arith.constant 0 : i32
    %dma_wait3A_102 = arith.constant 0 : i32
    %dma_wait3A_103 = tpu.memref_slice %arg6[%dma_wait3A_99, %dma_wait3A_101, %dma_wait3A_102] : memref<6x128x128xf32, #tpu.memory_space<vmem>> -> memref<1x128x128xf32, #tpu.memory_space<vmem>>
    %dma_wait3A_104 = tpu.memref_squeeze %dma_wait3A_103 : memref<1x128x128xf32, #tpu.memory_space<vmem>> -> memref<128x128xf32, #tpu.memory_space<vmem>>
    %dma_wait3A_105 = arith.constant 128 : i32
    %dma_wait3A_106 = tpu.memref_slice %arg5[%dma_wait3A_105] : memref<1408xi32, #tpu.memory_space<vmem>> -> memref<128xi32, #tpu.memory_space<vmem>>
    %dma_wait3A_107 = arith.constant 0 : i32
    %dma_wait3A_108 = arith.constant 0 : i32
    %dma_wait3A_109 = tpu.memref_slice %arg2[%dma_wait3A_107, %dma_wait3A_108] : memref<100000x128xf32, #tpu.memory_space<hbm>> -> memref<100000x128xf32, #tpu.memory_space<hbm>>
    %dma_wait3A_110 = tpu.memref_slice %arg7[%dma_wait3A_100] : memref<6x!tpu.dma_semaphore, #tpu.memory_space<semaphore_mem>> -> memref<1x!tpu.dma_semaphore, #tpu.memory_space<semaphore_mem>>
    %dma_wait3A_111 = tpu.memref_squeeze %dma_wait3A_110 : memref<1x!tpu.dma_semaphore, #tpu.memory_space<semaphore_mem>> -> memref<!tpu.dma_semaphore, #tpu.memory_space<semaphore_mem>>
    tpu.wait_indirect_dma semaphore(%dma_wait3A_111 : memref<!tpu.dma_semaphore, #tpu.memory_space<semaphore_mem>>) src(%dma_wait3A_109 : memref<100000x128xf32, #tpu.memory_space<hbm>>) dst(%dma_wait3A_104 : memref<128x128xf32, #tpu.memory_space<vmem>>)
    %mul3A_112 = arith.constant 1408 : i32
    %mul3A_113 = arith.muli %add3A, %mul3A_112 : i32
    %add3A_114 = arith.constant 128 : i32
    %add3A_115 = arith.addi %mul3A_113, %add3A_114 : i32
    %dma_start3A_116 = arith.constant 1 : i32
    %dma_start3A_117 = arith.constant 1 : i32
    %dma_start3A_118 = arith.constant 0 : i32
    %dma_start3A_119 = arith.constant 0 : i32
    %dma_start3A_120 = tpu.memref_slice %arg6[%dma_start3A_116, %dma_start3A_118, %dma_start3A_119] : memref<6x128x128xf32, #tpu.memory_space<vmem>> -> memref<1x128x128xf32, #tpu.memory_space<vmem>>
    %dma_start3A_121 = tpu.memref_squeeze %dma_start3A_120 : memref<1x128x128xf32, #tpu.memory_space<vmem>> -> memref<128x128xf32, #tpu.memory_space<vmem>>
    %dma_start3A_122 = arith.constant 0 : i32
    %dma_start3A_123 = tpu.memref_slice %arg4[%add3A_115, %dma_start3A_122] : memref<45056x128xf32, #tpu.memory_space<hbm>> -> memref<128x128xf32, #tpu.memory_space<hbm>>
    %dma_start3A_124 = tpu.memref_slice %arg8[%dma_start3A_117] : memref<6x!tpu.dma_semaphore, #tpu.memory_space<semaphore_mem>> -> memref<1x!tpu.dma_semaphore, #tpu.memory_space<semaphore_mem>>
    %dma_start3A_125 = tpu.memref_squeeze %dma_start3A_124 : memref<1x!tpu.dma_semaphore, #tpu.memory_space<semaphore_mem>> -> memref<!tpu.dma_semaphore, #tpu.memory_space<semaphore_mem>>
    %dma_start3A_126 = arith.constant 0 : i32
    %dma_start3A_127 = tpu.memref_slice %arg4[%add3A_115, %dma_start3A_126] : memref<45056x128xf32, #tpu.memory_space<hbm>> -> memref<128x128xf32, #tpu.memory_space<hbm>>
    %dma_start3A_128 = arith.constant 0 : i32
    %dma_start3A_129 = arith.constant 0 : i32
    %dma_start3A_130 = tpu.memref_slice %arg6[%dma_start3A_116, %dma_start3A_128, %dma_start3A_129] : memref<6x128x128xf32, #tpu.memory_space<vmem>> -> memref<1x128x128xf32, #tpu.memory_space<vmem>>
    %dma_start3A_131 = tpu.memref_squeeze %dma_start3A_130 : memref<1x128x128xf32, #tpu.memory_space<vmem>> -> memref<128x128xf32, #tpu.memory_space<vmem>>
    tpu.enqueue_dma source(%dma_start3A_131 : memref<128x128xf32, #tpu.memory_space<vmem>>) target(%dma_start3A_127 : memref<128x128xf32, #tpu.memory_space<hbm>>) target_semaphore(%dma_start3A_125 : memref<!tpu.dma_semaphore, #tpu.memory_space<semaphore_mem>>)
    %dma_start3A_132 = arith.constant 5 : i32
    %dma_start3A_133 = arith.constant 5 : i32
    %dma_start3A_134 = arith.constant 0 : i32
    %dma_start3A_135 = arith.constant 0 : i32
    %dma_start3A_136 = tpu.memref_slice %arg6[%dma_start3A_132, %dma_start3A_134, %dma_start3A_135] : memref<6x128x128xf32, #tpu.memory_space<vmem>> -> memref<1x128x128xf32, #tpu.memory_space<vmem>>
    %dma_start3A_137 = tpu.memref_squeeze %dma_start3A_136 : memref<1x128x128xf32, #tpu.memory_space<vmem>> -> memref<128x128xf32, #tpu.memory_space<vmem>>
    %dma_start3A_138 = arith.constant 640 : i32
    %dma_start3A_139 = tpu.memref_slice %arg5[%dma_start3A_138] : memref<1408xi32, #tpu.memory_space<vmem>> -> memref<128xi32, #tpu.memory_space<vmem>>
    %dma_start3A_140 = arith.constant 0 : i32
    %dma_start3A_141 = arith.constant 0 : i32
    %dma_start3A_142 = tpu.memref_slice %arg2[%dma_start3A_140, %dma_start3A_141] : memref<100000x128xf32, #tpu.memory_space<hbm>> -> memref<100000x128xf32, #tpu.memory_space<hbm>>
    %dma_start3A_143 = tpu.memref_slice %arg7[%dma_start3A_133] : memref<6x!tpu.dma_semaphore, #tpu.memory_space<semaphore_mem>> -> memref<1x!tpu.dma_semaphore, #tpu.memory_space<semaphore_mem>>
    %dma_start3A_144 = tpu.memref_squeeze %dma_start3A_143 : memref<1x!tpu.dma_semaphore, #tpu.memory_space<semaphore_mem>> -> memref<!tpu.dma_semaphore, #tpu.memory_space<semaphore_mem>>
    tpu.enqueue_indirect_dma source(%dma_start3A_142 : memref<100000x128xf32, #tpu.memory_space<hbm>>) target(%dma_start3A_137 : memref<128x128xf32, #tpu.memory_space<vmem>>) offsets(%dma_start3A_139 : memref<128xi32, #tpu.memory_space<vmem>>) semaphore(%dma_start3A_144 : memref<!tpu.dma_semaphore, #tpu.memory_space<semaphore_mem>>)
    %dma_wait3A_145 = arith.constant 2 : i32
    %dma_wait3A_146 = arith.constant 2 : i32
    %dma_wait3A_147 = arith.constant 0 : i32
    %dma_wait3A_148 = arith.constant 0 : i32
    %dma_wait3A_149 = tpu.memref_slice %arg6[%dma_wait3A_145, %dma_wait3A_147, %dma_wait3A_148] : memref<6x128x128xf32, #tpu.memory_space<vmem>> -> memref<1x128x128xf32, #tpu.memory_space<vmem>>
    %dma_wait3A_150 = tpu.memref_squeeze %dma_wait3A_149 : memref<1x128x128xf32, #tpu.memory_space<vmem>> -> memref<128x128xf32, #tpu.memory_space<vmem>>
    %dma_wait3A_151 = arith.constant 256 : i32
    %dma_wait3A_152 = tpu.memref_slice %arg5[%dma_wait3A_151] : memref<1408xi32, #tpu.memory_space<vmem>> -> memref<128xi32, #tpu.memory_space<vmem>>
    %dma_wait3A_153 = arith.constant 0 : i32
    %dma_wait3A_154 = arith.constant 0 : i32
    %dma_wait3A_155 = tpu.memref_slice %arg2[%dma_wait3A_153, %dma_wait3A_154] : memref<100000x128xf32, #tpu.memory_space<hbm>> -> memref<100000x128xf32, #tpu.memory_space<hbm>>
    %dma_wait3A_156 = tpu.memref_slice %arg7[%dma_wait3A_146] : memref<6x!tpu.dma_semaphore, #tpu.memory_space<semaphore_mem>> -> memref<1x!tpu.dma_semaphore, #tpu.memory_space<semaphore_mem>>
    %dma_wait3A_157 = tpu.memref_squeeze %dma_wait3A_156 : memref<1x!tpu.dma_semaphore, #tpu.memory_space<semaphore_mem>> -> memref<!tpu.dma_semaphore, #tpu.memory_space<semaphore_mem>>
    tpu.wait_indirect_dma semaphore(%dma_wait3A_157 : memref<!tpu.dma_semaphore, #tpu.memory_space<semaphore_mem>>) src(%dma_wait3A_155 : memref<100000x128xf32, #tpu.memory_space<hbm>>) dst(%dma_wait3A_150 : memref<128x128xf32, #tpu.memory_space<vmem>>)
    %mul3A_158 = arith.constant 1408 : i32
    %mul3A_159 = arith.muli %add3A, %mul3A_158 : i32
    %add3A_160 = arith.constant 256 : i32
    %add3A_161 = arith.addi %mul3A_159, %add3A_160 : i32
    %dma_start3A_162 = arith.constant 2 : i32
    %dma_start3A_163 = arith.constant 2 : i32
    %dma_start3A_164 = arith.constant 0 : i32
    %dma_start3A_165 = arith.constant 0 : i32
    %dma_start3A_166 = tpu.memref_slice %arg6[%dma_start3A_162, %dma_start3A_164, %dma_start3A_165] : memref<6x128x128xf32, #tpu.memory_space<vmem>> -> memref<1x128x128xf32, #tpu.memory_space<vmem>>
    %dma_start3A_167 = tpu.memref_squeeze %dma_start3A_166 : memref<1x128x128xf32, #tpu.memory_space<vmem>> -> memref<128x128xf32, #tpu.memory_space<vmem>>
    %dma_start3A_168 = arith.constant 0 : i32
    %dma_start3A_169 = tpu.memref_slice %arg4[%add3A_161, %dma_start3A_168] : memref<45056x128xf32, #tpu.memory_space<hbm>> -> memref<128x128xf32, #tpu.memory_space<hbm>>
    %dma_start3A_170 = tpu.memref_slice %arg8[%dma_start3A_163] : memref<6x!tpu.dma_semaphore, #tpu.memory_space<semaphore_mem>> -> memref<1x!tpu.dma_semaphore, #tpu.memory_space<semaphore_mem>>
    %dma_start3A_171 = tpu.memref_squeeze %dma_start3A_170 : memref<1x!tpu.dma_semaphore, #tpu.memory_space<semaphore_mem>> -> memref<!tpu.dma_semaphore, #tpu.memory_space<semaphore_mem>>
    %dma_start3A_172 = arith.constant 0 : i32
    %dma_start3A_173 = tpu.memref_slice %arg4[%add3A_161, %dma_start3A_172] : memref<45056x128xf32, #tpu.memory_space<hbm>> -> memref<128x128xf32, #tpu.memory_space<hbm>>
    %dma_start3A_174 = arith.constant 0 : i32
    %dma_start3A_175 = arith.constant 0 : i32
    %dma_start3A_176 = tpu.memref_slice %arg6[%dma_start3A_162, %dma_start3A_174, %dma_start3A_175] : memref<6x128x128xf32, #tpu.memory_space<vmem>> -> memref<1x128x128xf32, #tpu.memory_space<vmem>>
    %dma_start3A_177 = tpu.memref_squeeze %dma_start3A_176 : memref<1x128x128xf32, #tpu.memory_space<vmem>> -> memref<128x128xf32, #tpu.memory_space<vmem>>
    tpu.enqueue_dma source(%dma_start3A_177 : memref<128x128xf32, #tpu.memory_space<vmem>>) target(%dma_start3A_173 : memref<128x128xf32, #tpu.memory_space<hbm>>) target_semaphore(%dma_start3A_171 : memref<!tpu.dma_semaphore, #tpu.memory_space<semaphore_mem>>)
    %dma_wait3A_178 = arith.constant 0 : i32
    %dma_wait3A_179 = arith.constant 0 : i32
    %dma_wait3A_180 = arith.constant 0 : i32
    %dma_wait3A_181 = arith.constant 0 : i32
    %dma_wait3A_182 = tpu.memref_slice %arg6[%dma_wait3A_178, %dma_wait3A_180, %dma_wait3A_181] : memref<6x128x128xf32, #tpu.memory_space<vmem>> -> memref<1x128x128xf32, #tpu.memory_space<vmem>>
    %dma_wait3A_183 = tpu.memref_squeeze %dma_wait3A_182 : memref<1x128x128xf32, #tpu.memory_space<vmem>> -> memref<128x128xf32, #tpu.memory_space<vmem>>
    %dma_wait3A_184 = arith.constant 0 : i32
    %dma_wait3A_185 = tpu.memref_slice %arg4[%add3A_69, %dma_wait3A_184] : memref<45056x128xf32, #tpu.memory_space<hbm>> -> memref<128x128xf32, #tpu.memory_space<hbm>>
    %dma_wait3A_186 = tpu.memref_slice %arg8[%dma_wait3A_179] : memref<6x!tpu.dma_semaphore, #tpu.memory_space<semaphore_mem>> -> memref<1x!tpu.dma_semaphore, #tpu.memory_space<semaphore_mem>>
    %dma_wait3A_187 = tpu.memref_squeeze %dma_wait3A_186 : memref<1x!tpu.dma_semaphore, #tpu.memory_space<semaphore_mem>> -> memref<!tpu.dma_semaphore, #tpu.memory_space<semaphore_mem>>
    %dma_wait3A_188 = arith.constant 0 : i32
    %dma_wait3A_189 = tpu.memref_slice %arg4[%add3A_69, %dma_wait3A_188] : memref<45056x128xf32, #tpu.memory_space<hbm>> -> memref<128x128xf32, #tpu.memory_space<hbm>>
    %dma_wait3A_190 = arith.constant 0 : i32
    %dma_wait3A_191 = arith.constant 0 : i32
    %dma_wait3A_192 = tpu.memref_slice %arg6[%dma_wait3A_178, %dma_wait3A_190, %dma_wait3A_191] : memref<6x128x128xf32, #tpu.memory_space<vmem>> -> memref<1x128x128xf32, #tpu.memory_space<vmem>>
    %dma_wait3A_193 = tpu.memref_squeeze %dma_wait3A_192 : memref<1x128x128xf32, #tpu.memory_space<vmem>> -> memref<128x128xf32, #tpu.memory_space<vmem>>
    tpu.wait_dma2 semaphore(%dma_wait3A_187 : memref<!tpu.dma_semaphore, #tpu.memory_space<semaphore_mem>>) src(%dma_wait3A_193 : memref<128x128xf32, #tpu.memory_space<vmem>>) dst(%dma_wait3A_189 : memref<128x128xf32, #tpu.memory_space<hbm>>)
    %dma_start3A_194 = arith.constant 0 : i32
    %dma_start3A_195 = arith.constant 0 : i32
    %dma_start3A_196 = arith.constant 0 : i32
    %dma_start3A_197 = arith.constant 0 : i32
    %dma_start3A_198 = tpu.memref_slice %arg6[%dma_start3A_194, %dma_start3A_196, %dma_start3A_197] : memref<6x128x128xf32, #tpu.memory_space<vmem>> -> memref<1x128x128xf32, #tpu.memory_space<vmem>>
    %dma_start3A_199 = tpu.memref_squeeze %dma_start3A_198 : memref<1x128x128xf32, #tpu.memory_space<vmem>> -> memref<128x128xf32, #tpu.memory_space<vmem>>
    %dma_start3A_200 = arith.constant 768 : i32
    %dma_start3A_201 = tpu.memref_slice %arg5[%dma_start3A_200] : memref<1408xi32, #tpu.memory_space<vmem>> -> memref<128xi32, #tpu.memory_space<vmem>>
    %dma_start3A_202 = arith.constant 0 : i32
    %dma_start3A_203 = arith.constant 0 : i32
    %dma_start3A_204 = tpu.memref_slice %arg2[%dma_start3A_202, %dma_start3A_203] : memref<100000x128xf32, #tpu.memory_space<hbm>> -> memref<100000x128xf32, #tpu.memory_space<hbm>>
    %dma_start3A_205 = tpu.memref_slice %arg7[%dma_start3A_195] : memref<6x!tpu.dma_semaphore, #tpu.memory_space<semaphore_mem>> -> memref<1x!tpu.dma_semaphore, #tpu.memory_space<semaphore_mem>>
    %dma_start3A_206 = tpu.memref_squeeze %dma_start3A_205 : memref<1x!tpu.dma_semaphore, #tpu.memory_space<semaphore_mem>> -> memref<!tpu.dma_semaphore, #tpu.memory_space<semaphore_mem>>
    tpu.enqueue_indirect_dma source(%dma_start3A_204 : memref<100000x128xf32, #tpu.memory_space<hbm>>) target(%dma_start3A_199 : memref<128x128xf32, #tpu.memory_space<vmem>>) offsets(%dma_start3A_201 : memref<128xi32, #tpu.memory_space<vmem>>) semaphore(%dma_start3A_206 : memref<!tpu.dma_semaphore, #tpu.memory_space<semaphore_mem>>)
    %dma_wait3A_207 = arith.constant 3 : i32
    %dma_wait3A_208 = arith.constant 3 : i32
    %dma_wait3A_209 = arith.constant 0 : i32
    %dma_wait3A_210 = arith.constant 0 : i32
    %dma_wait3A_211 = tpu.memref_slice %arg6[%dma_wait3A_207, %dma_wait3A_209, %dma_wait3A_210] : memref<6x128x128xf32, #tpu.memory_space<vmem>> -> memref<1x128x128xf32, #tpu.memory_space<vmem>>
    %dma_wait3A_212 = tpu.memref_squeeze %dma_wait3A_211 : memref<1x128x128xf32, #tpu.memory_space<vmem>> -> memref<128x128xf32, #tpu.memory_space<vmem>>
    %dma_wait3A_213 = arith.constant 384 : i32
    %dma_wait3A_214 = tpu.memref_slice %arg5[%dma_wait3A_213] : memref<1408xi32, #tpu.memory_space<vmem>> -> memref<128xi32, #tpu.memory_space<vmem>>
    %dma_wait3A_215 = arith.constant 0 : i32
    %dma_wait3A_216 = arith.constant 0 : i32
    %dma_wait3A_217 = tpu.memref_slice %arg2[%dma_wait3A_215, %dma_wait3A_216] : memref<100000x128xf32, #tpu.memory_space<hbm>> -> memref<100000x128xf32, #tpu.memory_space<hbm>>
    %dma_wait3A_218 = tpu.memref_slice %arg7[%dma_wait3A_208] : memref<6x!tpu.dma_semaphore, #tpu.memory_space<semaphore_mem>> -> memref<1x!tpu.dma_semaphore, #tpu.memory_space<semaphore_mem>>
    %dma_wait3A_219 = tpu.memref_squeeze %dma_wait3A_218 : memref<1x!tpu.dma_semaphore, #tpu.memory_space<semaphore_mem>> -> memref<!tpu.dma_semaphore, #tpu.memory_space<semaphore_mem>>
    tpu.wait_indirect_dma semaphore(%dma_wait3A_219 : memref<!tpu.dma_semaphore, #tpu.memory_space<semaphore_mem>>) src(%dma_wait3A_217 : memref<100000x128xf32, #tpu.memory_space<hbm>>) dst(%dma_wait3A_212 : memref<128x128xf32, #tpu.memory_space<vmem>>)
    %mul3A_220 = arith.constant 1408 : i32
    %mul3A_221 = arith.muli %add3A, %mul3A_220 : i32
    %add3A_222 = arith.constant 384 : i32
    %add3A_223 = arith.addi %mul3A_221, %add3A_222 : i32
    %dma_start3A_224 = arith.constant 3 : i32
    %dma_start3A_225 = arith.constant 3 : i32
    %dma_start3A_226 = arith.constant 0 : i32
    %dma_start3A_227 = arith.constant 0 : i32
    %dma_start3A_228 = tpu.memref_slice %arg6[%dma_start3A_224, %dma_start3A_226, %dma_start3A_227] : memref<6x128x128xf32, #tpu.memory_space<vmem>> -> memref<1x128x128xf32, #tpu.memory_space<vmem>>
    %dma_start3A_229 = tpu.memref_squeeze %dma_start3A_228 : memref<1x128x128xf32, #tpu.memory_space<vmem>> -> memref<128x128xf32, #tpu.memory_space<vmem>>
    %dma_start3A_230 = arith.constant 0 : i32
    %dma_start3A_231 = tpu.memref_slice %arg4[%add3A_223, %dma_start3A_230] : memref<45056x128xf32, #tpu.memory_space<hbm>> -> memref<128x128xf32, #tpu.memory_space<hbm>>
    %dma_start3A_232 = tpu.memref_slice %arg8[%dma_start3A_225] : memref<6x!tpu.dma_semaphore, #tpu.memory_space<semaphore_mem>> -> memref<1x!tpu.dma_semaphore, #tpu.memory_space<semaphore_mem>>
    %dma_start3A_233 = tpu.memref_squeeze %dma_start3A_232 : memref<1x!tpu.dma_semaphore, #tpu.memory_space<semaphore_mem>> -> memref<!tpu.dma_semaphore, #tpu.memory_space<semaphore_mem>>
    %dma_start3A_234 = arith.constant 0 : i32
    %dma_start3A_235 = tpu.memref_slice %arg4[%add3A_223, %dma_start3A_234] : memref<45056x128xf32, #tpu.memory_space<hbm>> -> memref<128x128xf32, #tpu.memory_space<hbm>>
    %dma_start3A_236 = arith.constant 0 : i32
    %dma_start3A_237 = arith.constant 0 : i32
    %dma_start3A_238 = tpu.memref_slice %arg6[%dma_start3A_224, %dma_start3A_236, %dma_start3A_237] : memref<6x128x128xf32, #tpu.memory_space<vmem>> -> memref<1x128x128xf32, #tpu.memory_space<vmem>>
    %dma_start3A_239 = tpu.memref_squeeze %dma_start3A_238 : memref<1x128x128xf32, #tpu.memory_space<vmem>> -> memref<128x128xf32, #tpu.memory_space<vmem>>
    tpu.enqueue_dma source(%dma_start3A_239 : memref<128x128xf32, #tpu.memory_space<vmem>>) target(%dma_start3A_235 : memref<128x128xf32, #tpu.memory_space<hbm>>) target_semaphore(%dma_start3A_233 : memref<!tpu.dma_semaphore, #tpu.memory_space<semaphore_mem>>)
    %dma_wait3A_240 = arith.constant 1 : i32
    %dma_wait3A_241 = arith.constant 1 : i32
    %dma_wait3A_242 = arith.constant 0 : i32
    %dma_wait3A_243 = arith.constant 0 : i32
    %dma_wait3A_244 = tpu.memref_slice %arg6[%dma_wait3A_240, %dma_wait3A_242, %dma_wait3A_243] : memref<6x128x128xf32, #tpu.memory_space<vmem>> -> memref<1x128x128xf32, #tpu.memory_space<vmem>>
    %dma_wait3A_245 = tpu.memref_squeeze %dma_wait3A_244 : memref<1x128x128xf32, #tpu.memory_space<vmem>> -> memref<128x128xf32, #tpu.memory_space<vmem>>
    %dma_wait3A_246 = arith.constant 0 : i32
    %dma_wait3A_247 = tpu.memref_slice %arg4[%add3A_115, %dma_wait3A_246] : memref<45056x128xf32, #tpu.memory_space<hbm>> -> memref<128x128xf32, #tpu.memory_space<hbm>>
    %dma_wait3A_248 = tpu.memref_slice %arg8[%dma_wait3A_241] : memref<6x!tpu.dma_semaphore, #tpu.memory_space<semaphore_mem>> -> memref<1x!tpu.dma_semaphore, #tpu.memory_space<semaphore_mem>>
    %dma_wait3A_249 = tpu.memref_squeeze %dma_wait3A_248 : memref<1x!tpu.dma_semaphore, #tpu.memory_space<semaphore_mem>> -> memref<!tpu.dma_semaphore, #tpu.memory_space<semaphore_mem>>
    %dma_wait3A_250 = arith.constant 0 : i32
    %dma_wait3A_251 = tpu.memref_slice %arg4[%add3A_115, %dma_wait3A_250] : memref<45056x128xf32, #tpu.memory_space<hbm>> -> memref<128x128xf32, #tpu.memory_space<hbm>>
    %dma_wait3A_252 = arith.constant 0 : i32
    %dma_wait3A_253 = arith.constant 0 : i32
    %dma_wait3A_254 = tpu.memref_slice %arg6[%dma_wait3A_240, %dma_wait3A_252, %dma_wait3A_253] : memref<6x128x128xf32, #tpu.memory_space<vmem>> -> memref<1x128x128xf32, #tpu.memory_space<vmem>>
    %dma_wait3A_255 = tpu.memref_squeeze %dma_wait3A_254 : memref<1x128x128xf32, #tpu.memory_space<vmem>> -> memref<128x128xf32, #tpu.memory_space<vmem>>
    tpu.wait_dma2 semaphore(%dma_wait3A_249 : memref<!tpu.dma_semaphore, #tpu.memory_space<semaphore_mem>>) src(%dma_wait3A_255 : memref<128x128xf32, #tpu.memory_space<vmem>>) dst(%dma_wait3A_251 : memref<128x128xf32, #tpu.memory_space<hbm>>)
    %dma_start3A_256 = arith.constant 1 : i32
    %dma_start3A_257 = arith.constant 1 : i32
    %dma_start3A_258 = arith.constant 0 : i32
    %dma_start3A_259 = arith.constant 0 : i32
    %dma_start3A_260 = tpu.memref_slice %arg6[%dma_start3A_256, %dma_start3A_258, %dma_start3A_259] : memref<6x128x128xf32, #tpu.memory_space<vmem>> -> memref<1x128x128xf32, #tpu.memory_space<vmem>>
    %dma_start3A_261 = tpu.memref_squeeze %dma_start3A_260 : memref<1x128x128xf32, #tpu.memory_space<vmem>> -> memref<128x128xf32, #tpu.memory_space<vmem>>
    %dma_start3A_262 = arith.constant 896 : i32
    %dma_start3A_263 = tpu.memref_slice %arg5[%dma_start3A_262] : memref<1408xi32, #tpu.memory_space<vmem>> -> memref<128xi32, #tpu.memory_space<vmem>>
    %dma_start3A_264 = arith.constant 0 : i32
    %dma_start3A_265 = arith.constant 0 : i32
    %dma_start3A_266 = tpu.memref_slice %arg2[%dma_start3A_264, %dma_start3A_265] : memref<100000x128xf32, #tpu.memory_space<hbm>> -> memref<100000x128xf32, #tpu.memory_space<hbm>>
    %dma_start3A_267 = tpu.memref_slice %arg7[%dma_start3A_257] : memref<6x!tpu.dma_semaphore, #tpu.memory_space<semaphore_mem>> -> memref<1x!tpu.dma_semaphore, #tpu.memory_space<semaphore_mem>>
    %dma_start3A_268 = tpu.memref_squeeze %dma_start3A_267 : memref<1x!tpu.dma_semaphore, #tpu.memory_space<semaphore_mem>> -> memref<!tpu.dma_semaphore, #tpu.memory_space<semaphore_mem>>
    tpu.enqueue_indirect_dma source(%dma_start3A_266 : memref<100000x128xf32, #tpu.memory_space<hbm>>) target(%dma_start3A_261 : memref<128x128xf32, #tpu.memory_space<vmem>>) offsets(%dma_start3A_263 : memref<128xi32, #tpu.memory_space<vmem>>) semaphore(%dma_start3A_268 : memref<!tpu.dma_semaphore, #tpu.memory_space<semaphore_mem>>)
    %dma_wait3A_269 = arith.constant 4 : i32
    %dma_wait3A_270 = arith.constant 4 : i32
    %dma_wait3A_271 = arith.constant 0 : i32
    %dma_wait3A_272 = arith.constant 0 : i32
    %dma_wait3A_273 = tpu.memref_slice %arg6[%dma_wait3A_269, %dma_wait3A_271, %dma_wait3A_272] : memref<6x128x128xf32, #tpu.memory_space<vmem>> -> memref<1x128x128xf32, #tpu.memory_space<vmem>>
    %dma_wait3A_274 = tpu.memref_squeeze %dma_wait3A_273 : memref<1x128x128xf32, #tpu.memory_space<vmem>> -> memref<128x128xf32, #tpu.memory_space<vmem>>
    %dma_wait3A_275 = arith.constant 512 : i32
    %dma_wait3A_276 = tpu.memref_slice %arg5[%dma_wait3A_275] : memref<1408xi32, #tpu.memory_space<vmem>> -> memref<128xi32, #tpu.memory_space<vmem>>
    %dma_wait3A_277 = arith.constant 0 : i32
    %dma_wait3A_278 = arith.constant 0 : i32
    %dma_wait3A_279 = tpu.memref_slice %arg2[%dma_wait3A_277, %dma_wait3A_278] : memref<100000x128xf32, #tpu.memory_space<hbm>> -> memref<100000x128xf32, #tpu.memory_space<hbm>>
    %dma_wait3A_280 = tpu.memref_slice %arg7[%dma_wait3A_270] : memref<6x!tpu.dma_semaphore, #tpu.memory_space<semaphore_mem>> -> memref<1x!tpu.dma_semaphore, #tpu.memory_space<semaphore_mem>>
    %dma_wait3A_281 = tpu.memref_squeeze %dma_wait3A_280 : memref<1x!tpu.dma_semaphore, #tpu.memory_space<semaphore_mem>> -> memref<!tpu.dma_semaphore, #tpu.memory_space<semaphore_mem>>
    tpu.wait_indirect_dma semaphore(%dma_wait3A_281 : memref<!tpu.dma_semaphore, #tpu.memory_space<semaphore_mem>>) src(%dma_wait3A_279 : memref<100000x128xf32, #tpu.memory_space<hbm>>) dst(%dma_wait3A_274 : memref<128x128xf32, #tpu.memory_space<vmem>>)
    %mul3A_282 = arith.constant 1408 : i32
    %mul3A_283 = arith.muli %add3A, %mul3A_282 : i32
    %add3A_284 = arith.constant 512 : i32
    %add3A_285 = arith.addi %mul3A_283, %add3A_284 : i32
    %dma_start3A_286 = arith.constant 4 : i32
    %dma_start3A_287 = arith.constant 4 : i32
    %dma_start3A_288 = arith.constant 0 : i32
    %dma_start3A_289 = arith.constant 0 : i32
    %dma_start3A_290 = tpu.memref_slice %arg6[%dma_start3A_286, %dma_start3A_288, %dma_start3A_289] : memref<6x128x128xf32, #tpu.memory_space<vmem>> -> memref<1x128x128xf32, #tpu.memory_space<vmem>>
    %dma_start3A_291 = tpu.memref_squeeze %dma_start3A_290 : memref<1x128x128xf32, #tpu.memory_space<vmem>> -> memref<128x128xf32, #tpu.memory_space<vmem>>
    %dma_start3A_292 = arith.constant 0 : i32
    %dma_start3A_293 = tpu.memref_slice %arg4[%add3A_285, %dma_start3A_292] : memref<45056x128xf32, #tpu.memory_space<hbm>> -> memref<128x128xf32, #tpu.memory_space<hbm>>
    %dma_start3A_294 = tpu.memref_slice %arg8[%dma_start3A_287] : memref<6x!tpu.dma_semaphore, #tpu.memory_space<semaphore_mem>> -> memref<1x!tpu.dma_semaphore, #tpu.memory_space<semaphore_mem>>
    %dma_start3A_295 = tpu.memref_squeeze %dma_start3A_294 : memref<1x!tpu.dma_semaphore, #tpu.memory_space<semaphore_mem>> -> memref<!tpu.dma_semaphore, #tpu.memory_space<semaphore_mem>>
    %dma_start3A_296 = arith.constant 0 : i32
    %dma_start3A_297 = tpu.memref_slice %arg4[%add3A_285, %dma_start3A_296] : memref<45056x128xf32, #tpu.memory_space<hbm>> -> memref<128x128xf32, #tpu.memory_space<hbm>>
    %dma_start3A_298 = arith.constant 0 : i32
    %dma_start3A_299 = arith.constant 0 : i32
    %dma_start3A_300 = tpu.memref_slice %arg6[%dma_start3A_286, %dma_start3A_298, %dma_start3A_299] : memref<6x128x128xf32, #tpu.memory_space<vmem>> -> memref<1x128x128xf32, #tpu.memory_space<vmem>>
    %dma_start3A_301 = tpu.memref_squeeze %dma_start3A_300 : memref<1x128x128xf32, #tpu.memory_space<vmem>> -> memref<128x128xf32, #tpu.memory_space<vmem>>
    tpu.enqueue_dma source(%dma_start3A_301 : memref<128x128xf32, #tpu.memory_space<vmem>>) target(%dma_start3A_297 : memref<128x128xf32, #tpu.memory_space<hbm>>) target_semaphore(%dma_start3A_295 : memref<!tpu.dma_semaphore, #tpu.memory_space<semaphore_mem>>)
    %dma_wait3A_302 = arith.constant 2 : i32
    %dma_wait3A_303 = arith.constant 2 : i32
    %dma_wait3A_304 = arith.constant 0 : i32
    %dma_wait3A_305 = arith.constant 0 : i32
    %dma_wait3A_306 = tpu.memref_slice %arg6[%dma_wait3A_302, %dma_wait3A_304, %dma_wait3A_305] : memref<6x128x128xf32, #tpu.memory_space<vmem>> -> memref<1x128x128xf32, #tpu.memory_space<vmem>>
    %dma_wait3A_307 = tpu.memref_squeeze %dma_wait3A_306 : memref<1x128x128xf32, #tpu.memory_space<vmem>> -> memref<128x128xf32, #tpu.memory_space<vmem>>
    %dma_wait3A_308 = arith.constant 0 : i32
    %dma_wait3A_309 = tpu.memref_slice %arg4[%add3A_161, %dma_wait3A_308] : memref<45056x128xf32, #tpu.memory_space<hbm>> -> memref<128x128xf32, #tpu.memory_space<hbm>>
    %dma_wait3A_310 = tpu.memref_slice %arg8[%dma_wait3A_303] : memref<6x!tpu.dma_semaphore, #tpu.memory_space<semaphore_mem>> -> memref<1x!tpu.dma_semaphore, #tpu.memory_space<semaphore_mem>>
    %dma_wait3A_311 = tpu.memref_squeeze %dma_wait3A_310 : memref<1x!tpu.dma_semaphore, #tpu.memory_space<semaphore_mem>> -> memref<!tpu.dma_semaphore, #tpu.memory_space<semaphore_mem>>
    %dma_wait3A_312 = arith.constant 0 : i32
    %dma_wait3A_313 = tpu.memref_slice %arg4[%add3A_161, %dma_wait3A_312] : memref<45056x128xf32, #tpu.memory_space<hbm>> -> memref<128x128xf32, #tpu.memory_space<hbm>>
    %dma_wait3A_314 = arith.constant 0 : i32
    %dma_wait3A_315 = arith.constant 0 : i32
    %dma_wait3A_316 = tpu.memref_slice %arg6[%dma_wait3A_302, %dma_wait3A_314, %dma_wait3A_315] : memref<6x128x128xf32, #tpu.memory_space<vmem>> -> memref<1x128x128xf32, #tpu.memory_space<vmem>>
    %dma_wait3A_317 = tpu.memref_squeeze %dma_wait3A_316 : memref<1x128x128xf32, #tpu.memory_space<vmem>> -> memref<128x128xf32, #tpu.memory_space<vmem>>
    tpu.wait_dma2 semaphore(%dma_wait3A_311 : memref<!tpu.dma_semaphore, #tpu.memory_space<semaphore_mem>>) src(%dma_wait3A_317 : memref<128x128xf32, #tpu.memory_space<vmem>>) dst(%dma_wait3A_313 : memref<128x128xf32, #tpu.memory_space<hbm>>)
    %dma_start3A_318 = arith.constant 2 : i32
    %dma_start3A_319 = arith.constant 2 : i32
    %dma_start3A_320 = arith.constant 0 : i32
    %dma_start3A_321 = arith.constant 0 : i32
    %dma_start3A_322 = tpu.memref_slice %arg6[%dma_start3A_318, %dma_start3A_320, %dma_start3A_321] : memref<6x128x128xf32, #tpu.memory_space<vmem>> -> memref<1x128x128xf32, #tpu.memory_space<vmem>>
    %dma_start3A_323 = tpu.memref_squeeze %dma_start3A_322 : memref<1x128x128xf32, #tpu.memory_space<vmem>> -> memref<128x128xf32, #tpu.memory_space<vmem>>
    %dma_start3A_324 = arith.constant 1024 : i32
    %dma_start3A_325 = tpu.memref_slice %arg5[%dma_start3A_324] : memref<1408xi32, #tpu.memory_space<vmem>> -> memref<128xi32, #tpu.memory_space<vmem>>
    %dma_start3A_326 = arith.constant 0 : i32
    %dma_start3A_327 = arith.constant 0 : i32
    %dma_start3A_328 = tpu.memref_slice %arg2[%dma_start3A_326, %dma_start3A_327] : memref<100000x128xf32, #tpu.memory_space<hbm>> -> memref<100000x128xf32, #tpu.memory_space<hbm>>
    %dma_start3A_329 = tpu.memref_slice %arg7[%dma_start3A_319] : memref<6x!tpu.dma_semaphore, #tpu.memory_space<semaphore_mem>> -> memref<1x!tpu.dma_semaphore, #tpu.memory_space<semaphore_mem>>
    %dma_start3A_330 = tpu.memref_squeeze %dma_start3A_329 : memref<1x!tpu.dma_semaphore, #tpu.memory_space<semaphore_mem>> -> memref<!tpu.dma_semaphore, #tpu.memory_space<semaphore_mem>>
    tpu.enqueue_indirect_dma source(%dma_start3A_328 : memref<100000x128xf32, #tpu.memory_space<hbm>>) target(%dma_start3A_323 : memref<128x128xf32, #tpu.memory_space<vmem>>) offsets(%dma_start3A_325 : memref<128xi32, #tpu.memory_space<vmem>>) semaphore(%dma_start3A_330 : memref<!tpu.dma_semaphore, #tpu.memory_space<semaphore_mem>>)
    %dma_wait3A_331 = arith.constant 5 : i32
    %dma_wait3A_332 = arith.constant 5 : i32
    %dma_wait3A_333 = arith.constant 0 : i32
    %dma_wait3A_334 = arith.constant 0 : i32
    %dma_wait3A_335 = tpu.memref_slice %arg6[%dma_wait3A_331, %dma_wait3A_333, %dma_wait3A_334] : memref<6x128x128xf32, #tpu.memory_space<vmem>> -> memref<1x128x128xf32, #tpu.memory_space<vmem>>
    %dma_wait3A_336 = tpu.memref_squeeze %dma_wait3A_335 : memref<1x128x128xf32, #tpu.memory_space<vmem>> -> memref<128x128xf32, #tpu.memory_space<vmem>>
    %dma_wait3A_337 = arith.constant 640 : i32
    %dma_wait3A_338 = tpu.memref_slice %arg5[%dma_wait3A_337] : memref<1408xi32, #tpu.memory_space<vmem>> -> memref<128xi32, #tpu.memory_space<vmem>>
    %dma_wait3A_339 = arith.constant 0 : i32
    %dma_wait3A_340 = arith.constant 0 : i32
    %dma_wait3A_341 = tpu.memref_slice %arg2[%dma_wait3A_339, %dma_wait3A_340] : memref<100000x128xf32, #tpu.memory_space<hbm>> -> memref<100000x128xf32, #tpu.memory_space<hbm>>
    %dma_wait3A_342 = tpu.memref_slice %arg7[%dma_wait3A_332] : memref<6x!tpu.dma_semaphore, #tpu.memory_space<semaphore_mem>> -> memref<1x!tpu.dma_semaphore, #tpu.memory_space<semaphore_mem>>
    %dma_wait3A_343 = tpu.memref_squeeze %dma_wait3A_342 : memref<1x!tpu.dma_semaphore, #tpu.memory_space<semaphore_mem>> -> memref<!tpu.dma_semaphore, #tpu.memory_space<semaphore_mem>>
    tpu.wait_indirect_dma semaphore(%dma_wait3A_343 : memref<!tpu.dma_semaphore, #tpu.memory_space<semaphore_mem>>) src(%dma_wait3A_341 : memref<100000x128xf32, #tpu.memory_space<hbm>>) dst(%dma_wait3A_336 : memref<128x128xf32, #tpu.memory_space<vmem>>)
    %mul3A_344 = arith.constant 1408 : i32
    %mul3A_345 = arith.muli %add3A, %mul3A_344 : i32
    %add3A_346 = arith.constant 640 : i32
    %add3A_347 = arith.addi %mul3A_345, %add3A_346 : i32
    %dma_start3A_348 = arith.constant 5 : i32
    %dma_start3A_349 = arith.constant 5 : i32
    %dma_start3A_350 = arith.constant 0 : i32
    %dma_start3A_351 = arith.constant 0 : i32
    %dma_start3A_352 = tpu.memref_slice %arg6[%dma_start3A_348, %dma_start3A_350, %dma_start3A_351] : memref<6x128x128xf32, #tpu.memory_space<vmem>> -> memref<1x128x128xf32, #tpu.memory_space<vmem>>
    %dma_start3A_353 = tpu.memref_squeeze %dma_start3A_352 : memref<1x128x128xf32, #tpu.memory_space<vmem>> -> memref<128x128xf32, #tpu.memory_space<vmem>>
    %dma_start3A_354 = arith.constant 0 : i32
    %dma_start3A_355 = tpu.memref_slice %arg4[%add3A_347, %dma_start3A_354] : memref<45056x128xf32, #tpu.memory_space<hbm>> -> memref<128x128xf32, #tpu.memory_space<hbm>>
    %dma_start3A_356 = tpu.memref_slice %arg8[%dma_start3A_349] : memref<6x!tpu.dma_semaphore, #tpu.memory_space<semaphore_mem>> -> memref<1x!tpu.dma_semaphore, #tpu.memory_space<semaphore_mem>>
    %dma_start3A_357 = tpu.memref_squeeze %dma_start3A_356 : memref<1x!tpu.dma_semaphore, #tpu.memory_space<semaphore_mem>> -> memref<!tpu.dma_semaphore, #tpu.memory_space<semaphore_mem>>
    %dma_start3A_358 = arith.constant 0 : i32
    %dma_start3A_359 = tpu.memref_slice %arg4[%add3A_347, %dma_start3A_358] : memref<45056x128xf32, #tpu.memory_space<hbm>> -> memref<128x128xf32, #tpu.memory_space<hbm>>
    %dma_start3A_360 = arith.constant 0 : i32
    %dma_start3A_361 = arith.constant 0 : i32
    %dma_start3A_362 = tpu.memref_slice %arg6[%dma_start3A_348, %dma_start3A_360, %dma_start3A_361] : memref<6x128x128xf32, #tpu.memory_space<vmem>> -> memref<1x128x128xf32, #tpu.memory_space<vmem>>
    %dma_start3A_363 = tpu.memref_squeeze %dma_start3A_362 : memref<1x128x128xf32, #tpu.memory_space<vmem>> -> memref<128x128xf32, #tpu.memory_space<vmem>>
    tpu.enqueue_dma source(%dma_start3A_363 : memref<128x128xf32, #tpu.memory_space<vmem>>) target(%dma_start3A_359 : memref<128x128xf32, #tpu.memory_space<hbm>>) target_semaphore(%dma_start3A_357 : memref<!tpu.dma_semaphore, #tpu.memory_space<semaphore_mem>>)
    %dma_wait3A_364 = arith.constant 3 : i32
    %dma_wait3A_365 = arith.constant 3 : i32
    %dma_wait3A_366 = arith.constant 0 : i32
    %dma_wait3A_367 = arith.constant 0 : i32
    %dma_wait3A_368 = tpu.memref_slice %arg6[%dma_wait3A_364, %dma_wait3A_366, %dma_wait3A_367] : memref<6x128x128xf32, #tpu.memory_space<vmem>> -> memref<1x128x128xf32, #tpu.memory_space<vmem>>
    %dma_wait3A_369 = tpu.memref_squeeze %dma_wait3A_368 : memref<1x128x128xf32, #tpu.memory_space<vmem>> -> memref<128x128xf32, #tpu.memory_space<vmem>>
    %dma_wait3A_370 = arith.constant 0 : i32
    %dma_wait3A_371 = tpu.memref_slice %arg4[%add3A_223, %dma_wait3A_370] : memref<45056x128xf32, #tpu.memory_space<hbm>> -> memref<128x128xf32, #tpu.memory_space<hbm>>
    %dma_wait3A_372 = tpu.memref_slice %arg8[%dma_wait3A_365] : memref<6x!tpu.dma_semaphore, #tpu.memory_space<semaphore_mem>> -> memref<1x!tpu.dma_semaphore, #tpu.memory_space<semaphore_mem>>
    %dma_wait3A_373 = tpu.memref_squeeze %dma_wait3A_372 : memref<1x!tpu.dma_semaphore, #tpu.memory_space<semaphore_mem>> -> memref<!tpu.dma_semaphore, #tpu.memory_space<semaphore_mem>>
    %dma_wait3A_374 = arith.constant 0 : i32
    %dma_wait3A_375 = tpu.memref_slice %arg4[%add3A_223, %dma_wait3A_374] : memref<45056x128xf32, #tpu.memory_space<hbm>> -> memref<128x128xf32, #tpu.memory_space<hbm>>
    %dma_wait3A_376 = arith.constant 0 : i32
    %dma_wait3A_377 = arith.constant 0 : i32
    %dma_wait3A_378 = tpu.memref_slice %arg6[%dma_wait3A_364, %dma_wait3A_376, %dma_wait3A_377] : memref<6x128x128xf32, #tpu.memory_space<vmem>> -> memref<1x128x128xf32, #tpu.memory_space<vmem>>
    %dma_wait3A_379 = tpu.memref_squeeze %dma_wait3A_378 : memref<1x128x128xf32, #tpu.memory_space<vmem>> -> memref<128x128xf32, #tpu.memory_space<vmem>>
    tpu.wait_dma2 semaphore(%dma_wait3A_373 : memref<!tpu.dma_semaphore, #tpu.memory_space<semaphore_mem>>) src(%dma_wait3A_379 : memref<128x128xf32, #tpu.memory_space<vmem>>) dst(%dma_wait3A_375 : memref<128x128xf32, #tpu.memory_space<hbm>>)
    %dma_start3A_380 = arith.constant 3 : i32
    %dma_start3A_381 = arith.constant 3 : i32
    %dma_start3A_382 = arith.constant 0 : i32
    %dma_start3A_383 = arith.constant 0 : i32
    %dma_start3A_384 = tpu.memref_slice %arg6[%dma_start3A_380, %dma_start3A_382, %dma_start3A_383] : memref<6x128x128xf32, #tpu.memory_space<vmem>> -> memref<1x128x128xf32, #tpu.memory_space<vmem>>
    %dma_start3A_385 = tpu.memref_squeeze %dma_start3A_384 : memref<1x128x128xf32, #tpu.memory_space<vmem>> -> memref<128x128xf32, #tpu.memory_space<vmem>>
    %dma_start3A_386 = arith.constant 1152 : i32
    %dma_start3A_387 = tpu.memref_slice %arg5[%dma_start3A_386] : memref<1408xi32, #tpu.memory_space<vmem>> -> memref<128xi32, #tpu.memory_space<vmem>>
    %dma_start3A_388 = arith.constant 0 : i32
    %dma_start3A_389 = arith.constant 0 : i32
    %dma_start3A_390 = tpu.memref_slice %arg2[%dma_start3A_388, %dma_start3A_389] : memref<100000x128xf32, #tpu.memory_space<hbm>> -> memref<100000x128xf32, #tpu.memory_space<hbm>>
    %dma_start3A_391 = tpu.memref_slice %arg7[%dma_start3A_381] : memref<6x!tpu.dma_semaphore, #tpu.memory_space<semaphore_mem>> -> memref<1x!tpu.dma_semaphore, #tpu.memory_space<semaphore_mem>>
    %dma_start3A_392 = tpu.memref_squeeze %dma_start3A_391 : memref<1x!tpu.dma_semaphore, #tpu.memory_space<semaphore_mem>> -> memref<!tpu.dma_semaphore, #tpu.memory_space<semaphore_mem>>
    tpu.enqueue_indirect_dma source(%dma_start3A_390 : memref<100000x128xf32, #tpu.memory_space<hbm>>) target(%dma_start3A_385 : memref<128x128xf32, #tpu.memory_space<vmem>>) offsets(%dma_start3A_387 : memref<128xi32, #tpu.memory_space<vmem>>) semaphore(%dma_start3A_392 : memref<!tpu.dma_semaphore, #tpu.memory_space<semaphore_mem>>)
    %dma_wait3A_393 = arith.constant 0 : i32
    %dma_wait3A_394 = arith.constant 0 : i32
    %dma_wait3A_395 = arith.constant 0 : i32
    %dma_wait3A_396 = arith.constant 0 : i32
    %dma_wait3A_397 = tpu.memref_slice %arg6[%dma_wait3A_393, %dma_wait3A_395, %dma_wait3A_396] : memref<6x128x128xf32, #tpu.memory_space<vmem>> -> memref<1x128x128xf32, #tpu.memory_space<vmem>>
    %dma_wait3A_398 = tpu.memref_squeeze %dma_wait3A_397 : memref<1x128x128xf32, #tpu.memory_space<vmem>> -> memref<128x128xf32, #tpu.memory_space<vmem>>
    %dma_wait3A_399 = arith.constant 768 : i32
    %dma_wait3A_400 = tpu.memref_slice %arg5[%dma_wait3A_399] : memref<1408xi32, #tpu.memory_space<vmem>> -> memref<128xi32, #tpu.memory_space<vmem>>
    %dma_wait3A_401 = arith.constant 0 : i32
    %dma_wait3A_402 = arith.constant 0 : i32
    %dma_wait3A_403 = tpu.memref_slice %arg2[%dma_wait3A_401, %dma_wait3A_402] : memref<100000x128xf32, #tpu.memory_space<hbm>> -> memref<100000x128xf32, #tpu.memory_space<hbm>>
    %dma_wait3A_404 = tpu.memref_slice %arg7[%dma_wait3A_394] : memref<6x!tpu.dma_semaphore, #tpu.memory_space<semaphore_mem>> -> memref<1x!tpu.dma_semaphore, #tpu.memory_space<semaphore_mem>>
    %dma_wait3A_405 = tpu.memref_squeeze %dma_wait3A_404 : memref<1x!tpu.dma_semaphore, #tpu.memory_space<semaphore_mem>> -> memref<!tpu.dma_semaphore, #tpu.memory_space<semaphore_mem>>
    tpu.wait_indirect_dma semaphore(%dma_wait3A_405 : memref<!tpu.dma_semaphore, #tpu.memory_space<semaphore_mem>>) src(%dma_wait3A_403 : memref<100000x128xf32, #tpu.memory_space<hbm>>) dst(%dma_wait3A_398 : memref<128x128xf32, #tpu.memory_space<vmem>>)
    %mul3A_406 = arith.constant 1408 : i32
    %mul3A_407 = arith.muli %add3A, %mul3A_406 : i32
    %add3A_408 = arith.constant 768 : i32
    %add3A_409 = arith.addi %mul3A_407, %add3A_408 : i32
    %dma_start3A_410 = arith.constant 0 : i32
    %dma_start3A_411 = arith.constant 0 : i32
    %dma_start3A_412 = arith.constant 0 : i32
    %dma_start3A_413 = arith.constant 0 : i32
    %dma_start3A_414 = tpu.memref_slice %arg6[%dma_start3A_410, %dma_start3A_412, %dma_start3A_413] : memref<6x128x128xf32, #tpu.memory_space<vmem>> -> memref<1x128x128xf32, #tpu.memory_space<vmem>>
    %dma_start3A_415 = tpu.memref_squeeze %dma_start3A_414 : memref<1x128x128xf32, #tpu.memory_space<vmem>> -> memref<128x128xf32, #tpu.memory_space<vmem>>
    %dma_start3A_416 = arith.constant 0 : i32
    %dma_start3A_417 = tpu.memref_slice %arg4[%add3A_409, %dma_start3A_416] : memref<45056x128xf32, #tpu.memory_space<hbm>> -> memref<128x128xf32, #tpu.memory_space<hbm>>
    %dma_start3A_418 = tpu.memref_slice %arg8[%dma_start3A_411] : memref<6x!tpu.dma_semaphore, #tpu.memory_space<semaphore_mem>> -> memref<1x!tpu.dma_semaphore, #tpu.memory_space<semaphore_mem>>
    %dma_start3A_419 = tpu.memref_squeeze %dma_start3A_418 : memref<1x!tpu.dma_semaphore, #tpu.memory_space<semaphore_mem>> -> memref<!tpu.dma_semaphore, #tpu.memory_space<semaphore_mem>>
    %dma_start3A_420 = arith.constant 0 : i32
    %dma_start3A_421 = tpu.memref_slice %arg4[%add3A_409, %dma_start3A_420] : memref<45056x128xf32, #tpu.memory_space<hbm>> -> memref<128x128xf32, #tpu.memory_space<hbm>>
    %dma_start3A_422 = arith.constant 0 : i32
    %dma_start3A_423 = arith.constant 0 : i32
    %dma_start3A_424 = tpu.memref_slice %arg6[%dma_start3A_410, %dma_start3A_422, %dma_start3A_423] : memref<6x128x128xf32, #tpu.memory_space<vmem>> -> memref<1x128x128xf32, #tpu.memory_space<vmem>>
    %dma_start3A_425 = tpu.memref_squeeze %dma_start3A_424 : memref<1x128x128xf32, #tpu.memory_space<vmem>> -> memref<128x128xf32, #tpu.memory_space<vmem>>
    tpu.enqueue_dma source(%dma_start3A_425 : memref<128x128xf32, #tpu.memory_space<vmem>>) target(%dma_start3A_421 : memref<128x128xf32, #tpu.memory_space<hbm>>) target_semaphore(%dma_start3A_419 : memref<!tpu.dma_semaphore, #tpu.memory_space<semaphore_mem>>)
    %dma_wait3A_426 = arith.constant 4 : i32
    %dma_wait3A_427 = arith.constant 4 : i32
    %dma_wait3A_428 = arith.constant 0 : i32
    %dma_wait3A_429 = arith.constant 0 : i32
    %dma_wait3A_430 = tpu.memref_slice %arg6[%dma_wait3A_426, %dma_wait3A_428, %dma_wait3A_429] : memref<6x128x128xf32, #tpu.memory_space<vmem>> -> memref<1x128x128xf32, #tpu.memory_space<vmem>>
    %dma_wait3A_431 = tpu.memref_squeeze %dma_wait3A_430 : memref<1x128x128xf32, #tpu.memory_space<vmem>> -> memref<128x128xf32, #tpu.memory_space<vmem>>
    %dma_wait3A_432 = arith.constant 0 : i32
    %dma_wait3A_433 = tpu.memref_slice %arg4[%add3A_285, %dma_wait3A_432] : memref<45056x128xf32, #tpu.memory_space<hbm>> -> memref<128x128xf32, #tpu.memory_space<hbm>>
    %dma_wait3A_434 = tpu.memref_slice %arg8[%dma_wait3A_427] : memref<6x!tpu.dma_semaphore, #tpu.memory_space<semaphore_mem>> -> memref<1x!tpu.dma_semaphore, #tpu.memory_space<semaphore_mem>>
    %dma_wait3A_435 = tpu.memref_squeeze %dma_wait3A_434 : memref<1x!tpu.dma_semaphore, #tpu.memory_space<semaphore_mem>> -> memref<!tpu.dma_semaphore, #tpu.memory_space<semaphore_mem>>
    %dma_wait3A_436 = arith.constant 0 : i32
    %dma_wait3A_437 = tpu.memref_slice %arg4[%add3A_285, %dma_wait3A_436] : memref<45056x128xf32, #tpu.memory_space<hbm>> -> memref<128x128xf32, #tpu.memory_space<hbm>>
    %dma_wait3A_438 = arith.constant 0 : i32
    %dma_wait3A_439 = arith.constant 0 : i32
    %dma_wait3A_440 = tpu.memref_slice %arg6[%dma_wait3A_426, %dma_wait3A_438, %dma_wait3A_439] : memref<6x128x128xf32, #tpu.memory_space<vmem>> -> memref<1x128x128xf32, #tpu.memory_space<vmem>>
    %dma_wait3A_441 = tpu.memref_squeeze %dma_wait3A_440 : memref<1x128x128xf32, #tpu.memory_space<vmem>> -> memref<128x128xf32, #tpu.memory_space<vmem>>
    tpu.wait_dma2 semaphore(%dma_wait3A_435 : memref<!tpu.dma_semaphore, #tpu.memory_space<semaphore_mem>>) src(%dma_wait3A_441 : memref<128x128xf32, #tpu.memory_space<vmem>>) dst(%dma_wait3A_437 : memref<128x128xf32, #tpu.memory_space<hbm>>)
    %dma_start3A_442 = arith.constant 4 : i32
    %dma_start3A_443 = arith.constant 4 : i32
    %dma_start3A_444 = arith.constant 0 : i32
    %dma_start3A_445 = arith.constant 0 : i32
    %dma_start3A_446 = tpu.memref_slice %arg6[%dma_start3A_442, %dma_start3A_444, %dma_start3A_445] : memref<6x128x128xf32, #tpu.memory_space<vmem>> -> memref<1x128x128xf32, #tpu.memory_space<vmem>>
    %dma_start3A_447 = tpu.memref_squeeze %dma_start3A_446 : memref<1x128x128xf32, #tpu.memory_space<vmem>> -> memref<128x128xf32, #tpu.memory_space<vmem>>
    %dma_start3A_448 = arith.constant 1280 : i32
    %dma_start3A_449 = tpu.memref_slice %arg5[%dma_start3A_448] : memref<1408xi32, #tpu.memory_space<vmem>> -> memref<128xi32, #tpu.memory_space<vmem>>
    %dma_start3A_450 = arith.constant 0 : i32
    %dma_start3A_451 = arith.constant 0 : i32
    %dma_start3A_452 = tpu.memref_slice %arg2[%dma_start3A_450, %dma_start3A_451] : memref<100000x128xf32, #tpu.memory_space<hbm>> -> memref<100000x128xf32, #tpu.memory_space<hbm>>
    %dma_start3A_453 = tpu.memref_slice %arg7[%dma_start3A_443] : memref<6x!tpu.dma_semaphore, #tpu.memory_space<semaphore_mem>> -> memref<1x!tpu.dma_semaphore, #tpu.memory_space<semaphore_mem>>
    %dma_start3A_454 = tpu.memref_squeeze %dma_start3A_453 : memref<1x!tpu.dma_semaphore, #tpu.memory_space<semaphore_mem>> -> memref<!tpu.dma_semaphore, #tpu.memory_space<semaphore_mem>>
    tpu.enqueue_indirect_dma source(%dma_start3A_452 : memref<100000x128xf32, #tpu.memory_space<hbm>>) target(%dma_start3A_447 : memref<128x128xf32, #tpu.memory_space<vmem>>) offsets(%dma_start3A_449 : memref<128xi32, #tpu.memory_space<vmem>>) semaphore(%dma_start3A_454 : memref<!tpu.dma_semaphore, #tpu.memory_space<semaphore_mem>>)
    %dma_wait3A_455 = arith.constant 1 : i32
    %dma_wait3A_456 = arith.constant 1 : i32
    %dma_wait3A_457 = arith.constant 0 : i32
    %dma_wait3A_458 = arith.constant 0 : i32
    %dma_wait3A_459 = tpu.memref_slice %arg6[%dma_wait3A_455, %dma_wait3A_457, %dma_wait3A_458] : memref<6x128x128xf32, #tpu.memory_space<vmem>> -> memref<1x128x128xf32, #tpu.memory_space<vmem>>
    %dma_wait3A_460 = tpu.memref_squeeze %dma_wait3A_459 : memref<1x128x128xf32, #tpu.memory_space<vmem>> -> memref<128x128xf32, #tpu.memory_space<vmem>>
    %dma_wait3A_461 = arith.constant 896 : i32
    %dma_wait3A_462 = tpu.memref_slice %arg5[%dma_wait3A_461] : memref<1408xi32, #tpu.memory_space<vmem>> -> memref<128xi32, #tpu.memory_space<vmem>>
    %dma_wait3A_463 = arith.constant 0 : i32
    %dma_wait3A_464 = arith.constant 0 : i32
    %dma_wait3A_465 = tpu.memref_slice %arg2[%dma_wait3A_463, %dma_wait3A_464] : memref<100000x128xf32, #tpu.memory_space<hbm>> -> memref<100000x128xf32, #tpu.memory_space<hbm>>
    %dma_wait3A_466 = tpu.memref_slice %arg7[%dma_wait3A_456] : memref<6x!tpu.dma_semaphore, #tpu.memory_space<semaphore_mem>> -> memref<1x!tpu.dma_semaphore, #tpu.memory_space<semaphore_mem>>
    %dma_wait3A_467 = tpu.memref_squeeze %dma_wait3A_466 : memref<1x!tpu.dma_semaphore, #tpu.memory_space<semaphore_mem>> -> memref<!tpu.dma_semaphore, #tpu.memory_space<semaphore_mem>>
    tpu.wait_indirect_dma semaphore(%dma_wait3A_467 : memref<!tpu.dma_semaphore, #tpu.memory_space<semaphore_mem>>) src(%dma_wait3A_465 : memref<100000x128xf32, #tpu.memory_space<hbm>>) dst(%dma_wait3A_460 : memref<128x128xf32, #tpu.memory_space<vmem>>)
    %mul3A_468 = arith.constant 1408 : i32
    %mul3A_469 = arith.muli %add3A, %mul3A_468 : i32
    %add3A_470 = arith.constant 896 : i32
    %add3A_471 = arith.addi %mul3A_469, %add3A_470 : i32
    %dma_start3A_472 = arith.constant 1 : i32
    %dma_start3A_473 = arith.constant 1 : i32
    %dma_start3A_474 = arith.constant 0 : i32
    %dma_start3A_475 = arith.constant 0 : i32
    %dma_start3A_476 = tpu.memref_slice %arg6[%dma_start3A_472, %dma_start3A_474, %dma_start3A_475] : memref<6x128x128xf32, #tpu.memory_space<vmem>> -> memref<1x128x128xf32, #tpu.memory_space<vmem>>
    %dma_start3A_477 = tpu.memref_squeeze %dma_start3A_476 : memref<1x128x128xf32, #tpu.memory_space<vmem>> -> memref<128x128xf32, #tpu.memory_space<vmem>>
    %dma_start3A_478 = arith.constant 0 : i32
    %dma_start3A_479 = tpu.memref_slice %arg4[%add3A_471, %dma_start3A_478] : memref<45056x128xf32, #tpu.memory_space<hbm>> -> memref<128x128xf32, #tpu.memory_space<hbm>>
    %dma_start3A_480 = tpu.memref_slice %arg8[%dma_start3A_473] : memref<6x!tpu.dma_semaphore, #tpu.memory_space<semaphore_mem>> -> memref<1x!tpu.dma_semaphore, #tpu.memory_space<semaphore_mem>>
    %dma_start3A_481 = tpu.memref_squeeze %dma_start3A_480 : memref<1x!tpu.dma_semaphore, #tpu.memory_space<semaphore_mem>> -> memref<!tpu.dma_semaphore, #tpu.memory_space<semaphore_mem>>
    %dma_start3A_482 = arith.constant 0 : i32
    %dma_start3A_483 = tpu.memref_slice %arg4[%add3A_471, %dma_start3A_482] : memref<45056x128xf32, #tpu.memory_space<hbm>> -> memref<128x128xf32, #tpu.memory_space<hbm>>
    %dma_start3A_484 = arith.constant 0 : i32
    %dma_start3A_485 = arith.constant 0 : i32
    %dma_start3A_486 = tpu.memref_slice %arg6[%dma_start3A_472, %dma_start3A_484, %dma_start3A_485] : memref<6x128x128xf32, #tpu.memory_space<vmem>> -> memref<1x128x128xf32, #tpu.memory_space<vmem>>
    %dma_start3A_487 = tpu.memref_squeeze %dma_start3A_486 : memref<1x128x128xf32, #tpu.memory_space<vmem>> -> memref<128x128xf32, #tpu.memory_space<vmem>>
    tpu.enqueue_dma source(%dma_start3A_487 : memref<128x128xf32, #tpu.memory_space<vmem>>) target(%dma_start3A_483 : memref<128x128xf32, #tpu.memory_space<hbm>>) target_semaphore(%dma_start3A_481 : memref<!tpu.dma_semaphore, #tpu.memory_space<semaphore_mem>>)
    %dma_wait3A_488 = arith.constant 2 : i32
    %dma_wait3A_489 = arith.constant 2 : i32
    %dma_wait3A_490 = arith.constant 0 : i32
    %dma_wait3A_491 = arith.constant 0 : i32
    %dma_wait3A_492 = tpu.memref_slice %arg6[%dma_wait3A_488, %dma_wait3A_490, %dma_wait3A_491] : memref<6x128x128xf32, #tpu.memory_space<vmem>> -> memref<1x128x128xf32, #tpu.memory_space<vmem>>
    %dma_wait3A_493 = tpu.memref_squeeze %dma_wait3A_492 : memref<1x128x128xf32, #tpu.memory_space<vmem>> -> memref<128x128xf32, #tpu.memory_space<vmem>>
    %dma_wait3A_494 = arith.constant 1024 : i32
    %dma_wait3A_495 = tpu.memref_slice %arg5[%dma_wait3A_494] : memref<1408xi32, #tpu.memory_space<vmem>> -> memref<128xi32, #tpu.memory_space<vmem>>
    %dma_wait3A_496 = arith.constant 0 : i32
    %dma_wait3A_497 = arith.constant 0 : i32
    %dma_wait3A_498 = tpu.memref_slice %arg2[%dma_wait3A_496, %dma_wait3A_497] : memref<100000x128xf32, #tpu.memory_space<hbm>> -> memref<100000x128xf32, #tpu.memory_space<hbm>>
    %dma_wait3A_499 = tpu.memref_slice %arg7[%dma_wait3A_489] : memref<6x!tpu.dma_semaphore, #tpu.memory_space<semaphore_mem>> -> memref<1x!tpu.dma_semaphore, #tpu.memory_space<semaphore_mem>>
    %dma_wait3A_500 = tpu.memref_squeeze %dma_wait3A_499 : memref<1x!tpu.dma_semaphore, #tpu.memory_space<semaphore_mem>> -> memref<!tpu.dma_semaphore, #tpu.memory_space<semaphore_mem>>
    tpu.wait_indirect_dma semaphore(%dma_wait3A_500 : memref<!tpu.dma_semaphore, #tpu.memory_space<semaphore_mem>>) src(%dma_wait3A_498 : memref<100000x128xf32, #tpu.memory_space<hbm>>) dst(%dma_wait3A_493 : memref<128x128xf32, #tpu.memory_space<vmem>>)
    %mul3A_501 = arith.constant 1408 : i32
    %mul3A_502 = arith.muli %add3A, %mul3A_501 : i32
    %add3A_503 = arith.constant 1024 : i32
    %add3A_504 = arith.addi %mul3A_502, %add3A_503 : i32
    %dma_start3A_505 = arith.constant 2 : i32
    %dma_start3A_506 = arith.constant 2 : i32
    %dma_start3A_507 = arith.constant 0 : i32
    %dma_start3A_508 = arith.constant 0 : i32
    %dma_start3A_509 = tpu.memref_slice %arg6[%dma_start3A_505, %dma_start3A_507, %dma_start3A_508] : memref<6x128x128xf32, #tpu.memory_space<vmem>> -> memref<1x128x128xf32, #tpu.memory_space<vmem>>
    %dma_start3A_510 = tpu.memref_squeeze %dma_start3A_509 : memref<1x128x128xf32, #tpu.memory_space<vmem>> -> memref<128x128xf32, #tpu.memory_space<vmem>>
    %dma_start3A_511 = arith.constant 0 : i32
    %dma_start3A_512 = tpu.memref_slice %arg4[%add3A_504, %dma_start3A_511] : memref<45056x128xf32, #tpu.memory_space<hbm>> -> memref<128x128xf32, #tpu.memory_space<hbm>>
    %dma_start3A_513 = tpu.memref_slice %arg8[%dma_start3A_506] : memref<6x!tpu.dma_semaphore, #tpu.memory_space<semaphore_mem>> -> memref<1x!tpu.dma_semaphore, #tpu.memory_space<semaphore_mem>>
    %dma_start3A_514 = tpu.memref_squeeze %dma_start3A_513 : memref<1x!tpu.dma_semaphore, #tpu.memory_space<semaphore_mem>> -> memref<!tpu.dma_semaphore, #tpu.memory_space<semaphore_mem>>
    %dma_start3A_515 = arith.constant 0 : i32
    %dma_start3A_516 = tpu.memref_slice %arg4[%add3A_504, %dma_start3A_515] : memref<45056x128xf32, #tpu.memory_space<hbm>> -> memref<128x128xf32, #tpu.memory_space<hbm>>
    %dma_start3A_517 = arith.constant 0 : i32
    %dma_start3A_518 = arith.constant 0 : i32
    %dma_start3A_519 = tpu.memref_slice %arg6[%dma_start3A_505, %dma_start3A_517, %dma_start3A_518] : memref<6x128x128xf32, #tpu.memory_space<vmem>> -> memref<1x128x128xf32, #tpu.memory_space<vmem>>
    %dma_start3A_520 = tpu.memref_squeeze %dma_start3A_519 : memref<1x128x128xf32, #tpu.memory_space<vmem>> -> memref<128x128xf32, #tpu.memory_space<vmem>>
    tpu.enqueue_dma source(%dma_start3A_520 : memref<128x128xf32, #tpu.memory_space<vmem>>) target(%dma_start3A_516 : memref<128x128xf32, #tpu.memory_space<hbm>>) target_semaphore(%dma_start3A_514 : memref<!tpu.dma_semaphore, #tpu.memory_space<semaphore_mem>>)
    %dma_wait3A_521 = arith.constant 3 : i32
    %dma_wait3A_522 = arith.constant 3 : i32
    %dma_wait3A_523 = arith.constant 0 : i32
    %dma_wait3A_524 = arith.constant 0 : i32
    %dma_wait3A_525 = tpu.memref_slice %arg6[%dma_wait3A_521, %dma_wait3A_523, %dma_wait3A_524] : memref<6x128x128xf32, #tpu.memory_space<vmem>> -> memref<1x128x128xf32, #tpu.memory_space<vmem>>
    %dma_wait3A_526 = tpu.memref_squeeze %dma_wait3A_525 : memref<1x128x128xf32, #tpu.memory_space<vmem>> -> memref<128x128xf32, #tpu.memory_space<vmem>>
    %dma_wait3A_527 = arith.constant 1152 : i32
    %dma_wait3A_528 = tpu.memref_slice %arg5[%dma_wait3A_527] : memref<1408xi32, #tpu.memory_space<vmem>> -> memref<128xi32, #tpu.memory_space<vmem>>
    %dma_wait3A_529 = arith.constant 0 : i32
    %dma_wait3A_530 = arith.constant 0 : i32
    %dma_wait3A_531 = tpu.memref_slice %arg2[%dma_wait3A_529, %dma_wait3A_530] : memref<100000x128xf32, #tpu.memory_space<hbm>> -> memref<100000x128xf32, #tpu.memory_space<hbm>>
    %dma_wait3A_532 = tpu.memref_slice %arg7[%dma_wait3A_522] : memref<6x!tpu.dma_semaphore, #tpu.memory_space<semaphore_mem>> -> memref<1x!tpu.dma_semaphore, #tpu.memory_space<semaphore_mem>>
    %dma_wait3A_533 = tpu.memref_squeeze %dma_wait3A_532 : memref<1x!tpu.dma_semaphore, #tpu.memory_space<semaphore_mem>> -> memref<!tpu.dma_semaphore, #tpu.memory_space<semaphore_mem>>
    tpu.wait_indirect_dma semaphore(%dma_wait3A_533 : memref<!tpu.dma_semaphore, #tpu.memory_space<semaphore_mem>>) src(%dma_wait3A_531 : memref<100000x128xf32, #tpu.memory_space<hbm>>) dst(%dma_wait3A_526 : memref<128x128xf32, #tpu.memory_space<vmem>>)
    %mul3A_534 = arith.constant 1408 : i32
    %mul3A_535 = arith.muli %add3A, %mul3A_534 : i32
    %add3A_536 = arith.constant 1152 : i32
    %add3A_537 = arith.addi %mul3A_535, %add3A_536 : i32
    %dma_start3A_538 = arith.constant 3 : i32
    %dma_start3A_539 = arith.constant 3 : i32
    %dma_start3A_540 = arith.constant 0 : i32
    %dma_start3A_541 = arith.constant 0 : i32
    %dma_start3A_542 = tpu.memref_slice %arg6[%dma_start3A_538, %dma_start3A_540, %dma_start3A_541] : memref<6x128x128xf32, #tpu.memory_space<vmem>> -> memref<1x128x128xf32, #tpu.memory_space<vmem>>
    %dma_start3A_543 = tpu.memref_squeeze %dma_start3A_542 : memref<1x128x128xf32, #tpu.memory_space<vmem>> -> memref<128x128xf32, #tpu.memory_space<vmem>>
    %dma_start3A_544 = arith.constant 0 : i32
    %dma_start3A_545 = tpu.memref_slice %arg4[%add3A_537, %dma_start3A_544] : memref<45056x128xf32, #tpu.memory_space<hbm>> -> memref<128x128xf32, #tpu.memory_space<hbm>>
    %dma_start3A_546 = tpu.memref_slice %arg8[%dma_start3A_539] : memref<6x!tpu.dma_semaphore, #tpu.memory_space<semaphore_mem>> -> memref<1x!tpu.dma_semaphore, #tpu.memory_space<semaphore_mem>>
    %dma_start3A_547 = tpu.memref_squeeze %dma_start3A_546 : memref<1x!tpu.dma_semaphore, #tpu.memory_space<semaphore_mem>> -> memref<!tpu.dma_semaphore, #tpu.memory_space<semaphore_mem>>
    %dma_start3A_548 = arith.constant 0 : i32
    %dma_start3A_549 = tpu.memref_slice %arg4[%add3A_537, %dma_start3A_548] : memref<45056x128xf32, #tpu.memory_space<hbm>> -> memref<128x128xf32, #tpu.memory_space<hbm>>
    %dma_start3A_550 = arith.constant 0 : i32
    %dma_start3A_551 = arith.constant 0 : i32
    %dma_start3A_552 = tpu.memref_slice %arg6[%dma_start3A_538, %dma_start3A_550, %dma_start3A_551] : memref<6x128x128xf32, #tpu.memory_space<vmem>> -> memref<1x128x128xf32, #tpu.memory_space<vmem>>
    %dma_start3A_553 = tpu.memref_squeeze %dma_start3A_552 : memref<1x128x128xf32, #tpu.memory_space<vmem>> -> memref<128x128xf32, #tpu.memory_space<vmem>>
    tpu.enqueue_dma source(%dma_start3A_553 : memref<128x128xf32, #tpu.memory_space<vmem>>) target(%dma_start3A_549 : memref<128x128xf32, #tpu.memory_space<hbm>>) target_semaphore(%dma_start3A_547 : memref<!tpu.dma_semaphore, #tpu.memory_space<semaphore_mem>>)
    %dma_wait3A_554 = arith.constant 4 : i32
    %dma_wait3A_555 = arith.constant 4 : i32
    %dma_wait3A_556 = arith.constant 0 : i32
    %dma_wait3A_557 = arith.constant 0 : i32
    %dma_wait3A_558 = tpu.memref_slice %arg6[%dma_wait3A_554, %dma_wait3A_556, %dma_wait3A_557] : memref<6x128x128xf32, #tpu.memory_space<vmem>> -> memref<1x128x128xf32, #tpu.memory_space<vmem>>
    %dma_wait3A_559 = tpu.memref_squeeze %dma_wait3A_558 : memref<1x128x128xf32, #tpu.memory_space<vmem>> -> memref<128x128xf32, #tpu.memory_space<vmem>>
    %dma_wait3A_560 = arith.constant 1280 : i32
    %dma_wait3A_561 = tpu.memref_slice %arg5[%dma_wait3A_560] : memref<1408xi32, #tpu.memory_space<vmem>> -> memref<128xi32, #tpu.memory_space<vmem>>
    %dma_wait3A_562 = arith.constant 0 : i32
    %dma_wait3A_563 = arith.constant 0 : i32
    %dma_wait3A_564 = tpu.memref_slice %arg2[%dma_wait3A_562, %dma_wait3A_563] : memref<100000x128xf32, #tpu.memory_space<hbm>> -> memref<100000x128xf32, #tpu.memory_space<hbm>>
    %dma_wait3A_565 = tpu.memref_slice %arg7[%dma_wait3A_555] : memref<6x!tpu.dma_semaphore, #tpu.memory_space<semaphore_mem>> -> memref<1x!tpu.dma_semaphore, #tpu.memory_space<semaphore_mem>>
    %dma_wait3A_566 = tpu.memref_squeeze %dma_wait3A_565 : memref<1x!tpu.dma_semaphore, #tpu.memory_space<semaphore_mem>> -> memref<!tpu.dma_semaphore, #tpu.memory_space<semaphore_mem>>
    tpu.wait_indirect_dma semaphore(%dma_wait3A_566 : memref<!tpu.dma_semaphore, #tpu.memory_space<semaphore_mem>>) src(%dma_wait3A_564 : memref<100000x128xf32, #tpu.memory_space<hbm>>) dst(%dma_wait3A_559 : memref<128x128xf32, #tpu.memory_space<vmem>>)
    %mul3A_567 = arith.constant 1408 : i32
    %mul3A_568 = arith.muli %add3A, %mul3A_567 : i32
    %add3A_569 = arith.constant 1280 : i32
    %add3A_570 = arith.addi %mul3A_568, %add3A_569 : i32
    %dma_start3A_571 = arith.constant 4 : i32
    %dma_start3A_572 = arith.constant 4 : i32
    %dma_start3A_573 = arith.constant 0 : i32
    %dma_start3A_574 = arith.constant 0 : i32
    %dma_start3A_575 = tpu.memref_slice %arg6[%dma_start3A_571, %dma_start3A_573, %dma_start3A_574] : memref<6x128x128xf32, #tpu.memory_space<vmem>> -> memref<1x128x128xf32, #tpu.memory_space<vmem>>
    %dma_start3A_576 = tpu.memref_squeeze %dma_start3A_575 : memref<1x128x128xf32, #tpu.memory_space<vmem>> -> memref<128x128xf32, #tpu.memory_space<vmem>>
    %dma_start3A_577 = arith.constant 0 : i32
    %dma_start3A_578 = tpu.memref_slice %arg4[%add3A_570, %dma_start3A_577] : memref<45056x128xf32, #tpu.memory_space<hbm>> -> memref<128x128xf32, #tpu.memory_space<hbm>>
    %dma_start3A_579 = tpu.memref_slice %arg8[%dma_start3A_572] : memref<6x!tpu.dma_semaphore, #tpu.memory_space<semaphore_mem>> -> memref<1x!tpu.dma_semaphore, #tpu.memory_space<semaphore_mem>>
    %dma_start3A_580 = tpu.memref_squeeze %dma_start3A_579 : memref<1x!tpu.dma_semaphore, #tpu.memory_space<semaphore_mem>> -> memref<!tpu.dma_semaphore, #tpu.memory_space<semaphore_mem>>
    %dma_start3A_581 = arith.constant 0 : i32
    %dma_start3A_582 = tpu.memref_slice %arg4[%add3A_570, %dma_start3A_581] : memref<45056x128xf32, #tpu.memory_space<hbm>> -> memref<128x128xf32, #tpu.memory_space<hbm>>
    %dma_start3A_583 = arith.constant 0 : i32
    %dma_start3A_584 = arith.constant 0 : i32
    %dma_start3A_585 = tpu.memref_slice %arg6[%dma_start3A_571, %dma_start3A_583, %dma_start3A_584] : memref<6x128x128xf32, #tpu.memory_space<vmem>> -> memref<1x128x128xf32, #tpu.memory_space<vmem>>
    %dma_start3A_586 = tpu.memref_squeeze %dma_start3A_585 : memref<1x128x128xf32, #tpu.memory_space<vmem>> -> memref<128x128xf32, #tpu.memory_space<vmem>>
    tpu.enqueue_dma source(%dma_start3A_586 : memref<128x128xf32, #tpu.memory_space<vmem>>) target(%dma_start3A_582 : memref<128x128xf32, #tpu.memory_space<hbm>>) target_semaphore(%dma_start3A_580 : memref<!tpu.dma_semaphore, #tpu.memory_space<semaphore_mem>>)
    %dma_wait3A_587 = arith.constant 5 : i32
    %dma_wait3A_588 = arith.constant 5 : i32
    %dma_wait3A_589 = arith.constant 0 : i32
    %dma_wait3A_590 = arith.constant 0 : i32
    %dma_wait3A_591 = tpu.memref_slice %arg6[%dma_wait3A_587, %dma_wait3A_589, %dma_wait3A_590] : memref<6x128x128xf32, #tpu.memory_space<vmem>> -> memref<1x128x128xf32, #tpu.memory_space<vmem>>
    %dma_wait3A_592 = tpu.memref_squeeze %dma_wait3A_591 : memref<1x128x128xf32, #tpu.memory_space<vmem>> -> memref<128x128xf32, #tpu.memory_space<vmem>>
    %dma_wait3A_593 = arith.constant 0 : i32
    %dma_wait3A_594 = tpu.memref_slice %arg4[%add3A_347, %dma_wait3A_593] : memref<45056x128xf32, #tpu.memory_space<hbm>> -> memref<128x128xf32, #tpu.memory_space<hbm>>
    %dma_wait3A_595 = tpu.memref_slice %arg8[%dma_wait3A_588] : memref<6x!tpu.dma_semaphore, #tpu.memory_space<semaphore_mem>> -> memref<1x!tpu.dma_semaphore, #tpu.memory_space<semaphore_mem>>
    %dma_wait3A_596 = tpu.memref_squeeze %dma_wait3A_595 : memref<1x!tpu.dma_semaphore, #tpu.memory_space<semaphore_mem>> -> memref<!tpu.dma_semaphore, #tpu.memory_space<semaphore_mem>>
    %dma_wait3A_597 = arith.constant 0 : i32
    %dma_wait3A_598 = tpu.memref_slice %arg4[%add3A_347, %dma_wait3A_597] : memref<45056x128xf32, #tpu.memory_space<hbm>> -> memref<128x128xf32, #tpu.memory_space<hbm>>
    %dma_wait3A_599 = arith.constant 0 : i32
    %dma_wait3A_600 = arith.constant 0 : i32
    %dma_wait3A_601 = tpu.memref_slice %arg6[%dma_wait3A_587, %dma_wait3A_599, %dma_wait3A_600] : memref<6x128x128xf32, #tpu.memory_space<vmem>> -> memref<1x128x128xf32, #tpu.memory_space<vmem>>
    %dma_wait3A_602 = tpu.memref_squeeze %dma_wait3A_601 : memref<1x128x128xf32, #tpu.memory_space<vmem>> -> memref<128x128xf32, #tpu.memory_space<vmem>>
    tpu.wait_dma2 semaphore(%dma_wait3A_596 : memref<!tpu.dma_semaphore, #tpu.memory_space<semaphore_mem>>) src(%dma_wait3A_602 : memref<128x128xf32, #tpu.memory_space<vmem>>) dst(%dma_wait3A_598 : memref<128x128xf32, #tpu.memory_space<hbm>>)
    %dma_wait3A_603 = arith.constant 0 : i32
    %dma_wait3A_604 = arith.constant 0 : i32
    %dma_wait3A_605 = arith.constant 0 : i32
    %dma_wait3A_606 = arith.constant 0 : i32
    %dma_wait3A_607 = tpu.memref_slice %arg6[%dma_wait3A_603, %dma_wait3A_605, %dma_wait3A_606] : memref<6x128x128xf32, #tpu.memory_space<vmem>> -> memref<1x128x128xf32, #tpu.memory_space<vmem>>
    %dma_wait3A_608 = tpu.memref_squeeze %dma_wait3A_607 : memref<1x128x128xf32, #tpu.memory_space<vmem>> -> memref<128x128xf32, #tpu.memory_space<vmem>>
    %dma_wait3A_609 = arith.constant 0 : i32
    %dma_wait3A_610 = tpu.memref_slice %arg4[%add3A_409, %dma_wait3A_609] : memref<45056x128xf32, #tpu.memory_space<hbm>> -> memref<128x128xf32, #tpu.memory_space<hbm>>
    %dma_wait3A_611 = tpu.memref_slice %arg8[%dma_wait3A_604] : memref<6x!tpu.dma_semaphore, #tpu.memory_space<semaphore_mem>> -> memref<1x!tpu.dma_semaphore, #tpu.memory_space<semaphore_mem>>
    %dma_wait3A_612 = tpu.memref_squeeze %dma_wait3A_611 : memref<1x!tpu.dma_semaphore, #tpu.memory_space<semaphore_mem>> -> memref<!tpu.dma_semaphore, #tpu.memory_space<semaphore_mem>>
    %dma_wait3A_613 = arith.constant 0 : i32
    %dma_wait3A_614 = tpu.memref_slice %arg4[%add3A_409, %dma_wait3A_613] : memref<45056x128xf32, #tpu.memory_space<hbm>> -> memref<128x128xf32, #tpu.memory_space<hbm>>
    %dma_wait3A_615 = arith.constant 0 : i32
    %dma_wait3A_616 = arith.constant 0 : i32
    %dma_wait3A_617 = tpu.memref_slice %arg6[%dma_wait3A_603, %dma_wait3A_615, %dma_wait3A_616] : memref<6x128x128xf32, #tpu.memory_space<vmem>> -> memref<1x128x128xf32, #tpu.memory_space<vmem>>
    %dma_wait3A_618 = tpu.memref_squeeze %dma_wait3A_617 : memref<1x128x128xf32, #tpu.memory_space<vmem>> -> memref<128x128xf32, #tpu.memory_space<vmem>>
    tpu.wait_dma2 semaphore(%dma_wait3A_612 : memref<!tpu.dma_semaphore, #tpu.memory_space<semaphore_mem>>) src(%dma_wait3A_618 : memref<128x128xf32, #tpu.memory_space<vmem>>) dst(%dma_wait3A_614 : memref<128x128xf32, #tpu.memory_space<hbm>>)
    %dma_wait3A_619 = arith.constant 1 : i32
    %dma_wait3A_620 = arith.constant 1 : i32
    %dma_wait3A_621 = arith.constant 0 : i32
    %dma_wait3A_622 = arith.constant 0 : i32
    %dma_wait3A_623 = tpu.memref_slice %arg6[%dma_wait3A_619, %dma_wait3A_621, %dma_wait3A_622] : memref<6x128x128xf32, #tpu.memory_space<vmem>> -> memref<1x128x128xf32, #tpu.memory_space<vmem>>
    %dma_wait3A_624 = tpu.memref_squeeze %dma_wait3A_623 : memref<1x128x128xf32, #tpu.memory_space<vmem>> -> memref<128x128xf32, #tpu.memory_space<vmem>>
    %dma_wait3A_625 = arith.constant 0 : i32
    %dma_wait3A_626 = tpu.memref_slice %arg4[%add3A_471, %dma_wait3A_625] : memref<45056x128xf32, #tpu.memory_space<hbm>> -> memref<128x128xf32, #tpu.memory_space<hbm>>
    %dma_wait3A_627 = tpu.memref_slice %arg8[%dma_wait3A_620] : memref<6x!tpu.dma_semaphore, #tpu.memory_space<semaphore_mem>> -> memref<1x!tpu.dma_semaphore, #tpu.memory_space<semaphore_mem>>
    %dma_wait3A_628 = tpu.memref_squeeze %dma_wait3A_627 : memref<1x!tpu.dma_semaphore, #tpu.memory_space<semaphore_mem>> -> memref<!tpu.dma_semaphore, #tpu.memory_space<semaphore_mem>>
    %dma_wait3A_629 = arith.constant 0 : i32
    %dma_wait3A_630 = tpu.memref_slice %arg4[%add3A_471, %dma_wait3A_629] : memref<45056x128xf32, #tpu.memory_space<hbm>> -> memref<128x128xf32, #tpu.memory_space<hbm>>
    %dma_wait3A_631 = arith.constant 0 : i32
    %dma_wait3A_632 = arith.constant 0 : i32
    %dma_wait3A_633 = tpu.memref_slice %arg6[%dma_wait3A_619, %dma_wait3A_631, %dma_wait3A_632] : memref<6x128x128xf32, #tpu.memory_space<vmem>> -> memref<1x128x128xf32, #tpu.memory_space<vmem>>
    %dma_wait3A_634 = tpu.memref_squeeze %dma_wait3A_633 : memref<1x128x128xf32, #tpu.memory_space<vmem>> -> memref<128x128xf32, #tpu.memory_space<vmem>>
    tpu.wait_dma2 semaphore(%dma_wait3A_628 : memref<!tpu.dma_semaphore, #tpu.memory_space<semaphore_mem>>) src(%dma_wait3A_634 : memref<128x128xf32, #tpu.memory_space<vmem>>) dst(%dma_wait3A_630 : memref<128x128xf32, #tpu.memory_space<hbm>>)
    %dma_wait3A_635 = arith.constant 2 : i32
    %dma_wait3A_636 = arith.constant 2 : i32
    %dma_wait3A_637 = arith.constant 0 : i32
    %dma_wait3A_638 = arith.constant 0 : i32
    %dma_wait3A_639 = tpu.memref_slice %arg6[%dma_wait3A_635, %dma_wait3A_637, %dma_wait3A_638] : memref<6x128x128xf32, #tpu.memory_space<vmem>> -> memref<1x128x128xf32, #tpu.memory_space<vmem>>
    %dma_wait3A_640 = tpu.memref_squeeze %dma_wait3A_639 : memref<1x128x128xf32, #tpu.memory_space<vmem>> -> memref<128x128xf32, #tpu.memory_space<vmem>>
    %dma_wait3A_641 = arith.constant 0 : i32
    %dma_wait3A_642 = tpu.memref_slice %arg4[%add3A_504, %dma_wait3A_641] : memref<45056x128xf32, #tpu.memory_space<hbm>> -> memref<128x128xf32, #tpu.memory_space<hbm>>
    %dma_wait3A_643 = tpu.memref_slice %arg8[%dma_wait3A_636] : memref<6x!tpu.dma_semaphore, #tpu.memory_space<semaphore_mem>> -> memref<1x!tpu.dma_semaphore, #tpu.memory_space<semaphore_mem>>
    %dma_wait3A_644 = tpu.memref_squeeze %dma_wait3A_643 : memref<1x!tpu.dma_semaphore, #tpu.memory_space<semaphore_mem>> -> memref<!tpu.dma_semaphore, #tpu.memory_space<semaphore_mem>>
    %dma_wait3A_645 = arith.constant 0 : i32
    %dma_wait3A_646 = tpu.memref_slice %arg4[%add3A_504, %dma_wait3A_645] : memref<45056x128xf32, #tpu.memory_space<hbm>> -> memref<128x128xf32, #tpu.memory_space<hbm>>
    %dma_wait3A_647 = arith.constant 0 : i32
    %dma_wait3A_648 = arith.constant 0 : i32
    %dma_wait3A_649 = tpu.memref_slice %arg6[%dma_wait3A_635, %dma_wait3A_647, %dma_wait3A_648] : memref<6x128x128xf32, #tpu.memory_space<vmem>> -> memref<1x128x128xf32, #tpu.memory_space<vmem>>
    %dma_wait3A_650 = tpu.memref_squeeze %dma_wait3A_649 : memref<1x128x128xf32, #tpu.memory_space<vmem>> -> memref<128x128xf32, #tpu.memory_space<vmem>>
    tpu.wait_dma2 semaphore(%dma_wait3A_644 : memref<!tpu.dma_semaphore, #tpu.memory_space<semaphore_mem>>) src(%dma_wait3A_650 : memref<128x128xf32, #tpu.memory_space<vmem>>) dst(%dma_wait3A_646 : memref<128x128xf32, #tpu.memory_space<hbm>>)
    %dma_wait3A_651 = arith.constant 3 : i32
    %dma_wait3A_652 = arith.constant 3 : i32
    %dma_wait3A_653 = arith.constant 0 : i32
    %dma_wait3A_654 = arith.constant 0 : i32
    %dma_wait3A_655 = tpu.memref_slice %arg6[%dma_wait3A_651, %dma_wait3A_653, %dma_wait3A_654] : memref<6x128x128xf32, #tpu.memory_space<vmem>> -> memref<1x128x128xf32, #tpu.memory_space<vmem>>
    %dma_wait3A_656 = tpu.memref_squeeze %dma_wait3A_655 : memref<1x128x128xf32, #tpu.memory_space<vmem>> -> memref<128x128xf32, #tpu.memory_space<vmem>>
    %dma_wait3A_657 = arith.constant 0 : i32
    %dma_wait3A_658 = tpu.memref_slice %arg4[%add3A_537, %dma_wait3A_657] : memref<45056x128xf32, #tpu.memory_space<hbm>> -> memref<128x128xf32, #tpu.memory_space<hbm>>
    %dma_wait3A_659 = tpu.memref_slice %arg8[%dma_wait3A_652] : memref<6x!tpu.dma_semaphore, #tpu.memory_space<semaphore_mem>> -> memref<1x!tpu.dma_semaphore, #tpu.memory_space<semaphore_mem>>
    %dma_wait3A_660 = tpu.memref_squeeze %dma_wait3A_659 : memref<1x!tpu.dma_semaphore, #tpu.memory_space<semaphore_mem>> -> memref<!tpu.dma_semaphore, #tpu.memory_space<semaphore_mem>>
    %dma_wait3A_661 = arith.constant 0 : i32
    %dma_wait3A_662 = tpu.memref_slice %arg4[%add3A_537, %dma_wait3A_661] : memref<45056x128xf32, #tpu.memory_space<hbm>> -> memref<128x128xf32, #tpu.memory_space<hbm>>
    %dma_wait3A_663 = arith.constant 0 : i32
    %dma_wait3A_664 = arith.constant 0 : i32
    %dma_wait3A_665 = tpu.memref_slice %arg6[%dma_wait3A_651, %dma_wait3A_663, %dma_wait3A_664] : memref<6x128x128xf32, #tpu.memory_space<vmem>> -> memref<1x128x128xf32, #tpu.memory_space<vmem>>
    %dma_wait3A_666 = tpu.memref_squeeze %dma_wait3A_665 : memref<1x128x128xf32, #tpu.memory_space<vmem>> -> memref<128x128xf32, #tpu.memory_space<vmem>>
    tpu.wait_dma2 semaphore(%dma_wait3A_660 : memref<!tpu.dma_semaphore, #tpu.memory_space<semaphore_mem>>) src(%dma_wait3A_666 : memref<128x128xf32, #tpu.memory_space<vmem>>) dst(%dma_wait3A_662 : memref<128x128xf32, #tpu.memory_space<hbm>>)
    %dma_wait3A_667 = arith.constant 4 : i32
    %dma_wait3A_668 = arith.constant 4 : i32
    %dma_wait3A_669 = arith.constant 0 : i32
    %dma_wait3A_670 = arith.constant 0 : i32
    %dma_wait3A_671 = tpu.memref_slice %arg6[%dma_wait3A_667, %dma_wait3A_669, %dma_wait3A_670] : memref<6x128x128xf32, #tpu.memory_space<vmem>> -> memref<1x128x128xf32, #tpu.memory_space<vmem>>
    %dma_wait3A_672 = tpu.memref_squeeze %dma_wait3A_671 : memref<1x128x128xf32, #tpu.memory_space<vmem>> -> memref<128x128xf32, #tpu.memory_space<vmem>>
    %dma_wait3A_673 = arith.constant 0 : i32
    %dma_wait3A_674 = tpu.memref_slice %arg4[%add3A_570, %dma_wait3A_673] : memref<45056x128xf32, #tpu.memory_space<hbm>> -> memref<128x128xf32, #tpu.memory_space<hbm>>
    %dma_wait3A_675 = tpu.memref_slice %arg8[%dma_wait3A_668] : memref<6x!tpu.dma_semaphore, #tpu.memory_space<semaphore_mem>> -> memref<1x!tpu.dma_semaphore, #tpu.memory_space<semaphore_mem>>
    %dma_wait3A_676 = tpu.memref_squeeze %dma_wait3A_675 : memref<1x!tpu.dma_semaphore, #tpu.memory_space<semaphore_mem>> -> memref<!tpu.dma_semaphore, #tpu.memory_space<semaphore_mem>>
    %dma_wait3A_677 = arith.constant 0 : i32
    %dma_wait3A_678 = tpu.memref_slice %arg4[%add3A_570, %dma_wait3A_677] : memref<45056x128xf32, #tpu.memory_space<hbm>> -> memref<128x128xf32, #tpu.memory_space<hbm>>
    %dma_wait3A_679 = arith.constant 0 : i32
    %dma_wait3A_680 = arith.constant 0 : i32
    %dma_wait3A_681 = tpu.memref_slice %arg6[%dma_wait3A_667, %dma_wait3A_679, %dma_wait3A_680] : memref<6x128x128xf32, #tpu.memory_space<vmem>> -> memref<1x128x128xf32, #tpu.memory_space<vmem>>
    %dma_wait3A_682 = tpu.memref_squeeze %dma_wait3A_681 : memref<1x128x128xf32, #tpu.memory_space<vmem>> -> memref<128x128xf32, #tpu.memory_space<vmem>>
    tpu.wait_dma2 semaphore(%dma_wait3A_676 : memref<!tpu.dma_semaphore, #tpu.memory_space<semaphore_mem>>) src(%dma_wait3A_682 : memref<128x128xf32, #tpu.memory_space<vmem>>) dst(%dma_wait3A_678 : memref<128x128xf32, #tpu.memory_space<hbm>>)
    return
  }
}

module attributes {stable_mosaic.version = 14 : i64} {
  func.func @_tc1_body(%arg0: i32, %arg1: memref<64x1xi32, #tpu.memory_space<vmem>>, %arg2: memref<64x1xf32, #tpu.memory_space<vmem>>, %arg3: memref<1280x10xf32, #tpu.memory_space<vmem>>, %arg4: memref<1280x10xf32, #tpu.memory_space<vmem>>, %arg5: memref<1280x10xf32, #tpu.memory_space<vmem>>, %arg6: memref<1280x10xf32, #tpu.memory_space<vmem>>, %arg7: memref<128x128xf32, #tpu.memory_space<vmem>>, %arg8: memref<1x128xf32, #tpu.memory_space<vmem>>, %arg9: memref<1x128xf32, #tpu.memory_space<vmem>>, %arg10: memref<1x1xf32, #tpu.memory_space<vmem>>, %arg11: memref<64x128xf32, #tpu.memory_space<vmem>>, %arg12: memref<128x64xf32, #tpu.memory_space<vmem>>, %arg13: memref<1280x128xf32, #tpu.memory_space<vmem>>, %arg14: memref<1280x128xf32, #tpu.memory_space<vmem>>, %arg15: memref<1280x10xf32, #tpu.memory_space<vmem>>, %arg16: memref<1280x10xf32, #tpu.memory_space<vmem>>, %arg17: memref<64x130xf32, #tpu.memory_space<vmem>>) attributes {dimension_semantics = [#tpu.dimension_semantics<arbitrary>], iteration_bounds = array<i64: 16>, scalar_prefetch = 0 : i64, scratch_operands = 0 : i64, tpu.core_type = #tpu.core_type<tc>, window_params = [{transform_indices = @transform_0, window_bounds = array<i64: 64, 1>}, {transform_indices = @transform_1, window_bounds = array<i64: 64, 1>}, {transform_indices = @transform_2, window_bounds = array<i64: 1280, 10>}, {transform_indices = @transform_3, window_bounds = array<i64: 1280, 10>}, {transform_indices = @transform_4, window_bounds = array<i64: 1280, 10>}, {transform_indices = @transform_5, window_bounds = array<i64: 1280, 10>}, {pipeline_mode = #tpu.pipeline_mode<synchronous>, transform_indices = @transform_6, window_bounds = array<i64: 128, 128>}, {pipeline_mode = #tpu.pipeline_mode<synchronous>, transform_indices = @transform_7, window_bounds = array<i64: 1, 128>}, {pipeline_mode = #tpu.pipeline_mode<synchronous>, transform_indices = @transform_8, window_bounds = array<i64: 1, 128>}, {pipeline_mode = #tpu.pipeline_mode<synchronous>, transform_indices = @transform_9, window_bounds = array<i64: 1, 1>}, {pipeline_mode = #tpu.pipeline_mode<synchronous>, transform_indices = @transform_10, window_bounds = array<i64: 64, 128>}, {pipeline_mode = #tpu.pipeline_mode<synchronous>, transform_indices = @transform_11, window_bounds = array<i64: 128, 64>}, {transform_indices = @transform_12, window_bounds = array<i64: 1280, 128>}, {transform_indices = @transform_13, window_bounds = array<i64: 1280, 128>}, {transform_indices = @transform_14, window_bounds = array<i64: 1280, 10>}, {transform_indices = @transform_15, window_bounds = array<i64: 1280, 10>}, {transform_indices = @transform_16, window_bounds = array<i64: 64, 130>}]} {
    %get3A = arith.constant 0 : index
    %get3A_0 = arith.constant 0 : index
    %get3A_1 = vector.load %arg11[%get3A, %get3A_0] : memref<64x128xf32, #tpu.memory_space<vmem>>, vector<64x128xf32>
    %get3A_2 = arith.constant 0 : index
    %get3A_3 = arith.constant 0 : index
    %get3A_4 = vector.load %arg7[%get3A_2, %get3A_3] : memref<128x128xf32, #tpu.memory_space<vmem>>, vector<128x128xf32>
    %dot_general3A = arith.constant dense<0.000000e+00> : vector<64x128xf32>
    %dot_general3A_5 = tpu.matmul %get3A_1, %get3A_4, %dot_general3A {dimension_numbers = #tpu.dot_dimension_numbers<[1], [0], [0], [1], [0, 0, 1, 1], [], []>, transpose_lhs_hint = false} : vector<64x128xf32>, vector<128x128xf32>, vector<64x128xf32> -> vector<64x128xf32>
    %concatenate3A = tpu.concatenate %dot_general3A_5, %dot_general3A_5 in 0 : vector<64x128xf32>, vector<64x128xf32> -> vector<128x128xf32>
    %get3A_6 = arith.constant 0 : index
    %get3A_7 = arith.constant 0 : index
    %get3A_8 = vector.load %arg8[%get3A_6, %get3A_7] : memref<1x128xf32, #tpu.memory_space<vmem>>, vector<1x128xf32>
    %get3A_9 = arith.constant 0 : index
    %get3A_10 = arith.constant 0 : index
    %get3A_11 = vector.load %arg12[%get3A_9, %get3A_10] : memref<128x64xf32, #tpu.memory_space<vmem>>, vector<128x64xf32>
    %dot_general3A_12 = arith.constant dense<0.000000e+00> : vector<1x64xf32>
    %dot_general3A_13 = tpu.matmul %get3A_8, %get3A_11, %dot_general3A_12 {dimension_numbers = #tpu.dot_dimension_numbers<[1], [0], [0], [1], [0, 0, 1, 1], [], []>, transpose_lhs_hint = false} : vector<1x128xf32>, vector<128x64xf32>, vector<1x64xf32> -> vector<1x64xf32>
    %get3A_14 = arith.constant 0 : index
    %get3A_15 = arith.constant 0 : index
    %get3A_16 = vector.load %arg10[%get3A_14, %get3A_15] : memref<1x1xf32, #tpu.memory_space<vmem>>, vector<1x1xf32>
    %add3A = vector.broadcast %get3A_16 : vector<1x1xf32> to vector<1x64xf32>
    %add3A_17 = arith.addf %dot_general3A_13, %add3A : vector<1x64xf32>
    %concatenate3A_18 = tpu.concatenate %add3A_17, %add3A_17, %add3A_17, %add3A_17, %add3A_17, %add3A_17, %add3A_17, %add3A_17, %add3A_17, %add3A_17 in 1 : vector<1x64xf32>, vector<1x64xf32>, vector<1x64xf32>, vector<1x64xf32>, vector<1x64xf32>, vector<1x64xf32>, vector<1x64xf32>, vector<1x64xf32>, vector<1x64xf32>, vector<1x64xf32> -> vector<1x640xf32>
    %get3A_19 = arith.constant 0 : index
    %get3A_20 = arith.constant 0 : index
    %get3A_21 = vector.load %arg9[%get3A_19, %get3A_20] : memref<1x128xf32, #tpu.memory_space<vmem>>, vector<1x128xf32>
    %iota3A = tpu.iota {dimensions = array<i32: 0>} : vector<10x640xi32>
    %iota3A_22 = tpu.iota {dimensions = array<i32: 1>} : vector<10x640xi32>
    %jit3A = arith.constant 64 : i32
    %div3A = vector.broadcast %jit3A : i32 to vector<10x640xi32>
    %div3A_23 = arith.divsi %iota3A_22, %div3A : vector<10x640xi32>
    %sign3A = arith.constant 0 : i32
    %sign3A_24 = vector.broadcast %sign3A : i32 to vector<10x640xi32>
    %sign3A_25 = arith.cmpi sgt, %iota3A_22, %sign3A_24 : vector<10x640xi32>
    %sign3A_26 = arith.extui %sign3A_25 : vector<10x640xi1> to vector<10x640xi32>
    %sign3A_27 = arith.constant 0 : i32
    %sign3A_28 = vector.broadcast %sign3A_27 : i32 to vector<10x640xi32>
    %sign3A_29 = arith.cmpi slt, %iota3A_22, %sign3A_28 : vector<10x640xi32>
    %sign3A_30 = arith.extui %sign3A_29 : vector<10x640xi1> to vector<10x640xi32>
    %sign3A_31 = arith.subi %sign3A_26, %sign3A_30 : vector<10x640xi32>
    %sign3A_32 = arith.constant 0 : i32
    %sign3A_33 = arith.cmpi sgt, %jit3A, %sign3A_32 : i32
    %sign3A_34 = arith.extui %sign3A_33 : i1 to i32
    %sign3A_35 = arith.constant 0 : i32
    %sign3A_36 = arith.cmpi slt, %jit3A, %sign3A_35 : i32
    %sign3A_37 = arith.extui %sign3A_36 : i1 to i32
    %sign3A_38 = arith.subi %sign3A_34, %sign3A_37 : i32
    %ne3A = vector.broadcast %sign3A_38 : i32 to vector<10x640xi32>
    %ne3A_39 = arith.cmpi ne, %sign3A_31, %ne3A : vector<10x640xi32>
    %rem3A = vector.broadcast %jit3A : i32 to vector<10x640xi32>
    %rem3A_40 = arith.remsi %iota3A_22, %rem3A : vector<10x640xi32>
    %ne3A_41 = arith.constant 0 : i32
    %ne3A_42 = vector.broadcast %ne3A_41 : i32 to vector<10x640xi32>
    %ne3A_43 = arith.cmpi ne, %rem3A_40, %ne3A_42 : vector<10x640xi32>
    %and3A = arith.andi %ne3A_39, %ne3A_43 : vector<10x640xi1>
    %sub3A = arith.constant 1 : i32
    %sub3A_44 = vector.broadcast %sub3A : i32 to vector<10x640xi32>
    %sub3A_45 = arith.subi %div3A_23, %sub3A_44 : vector<10x640xi32>
    %select_n3A = arith.select %and3A, %sub3A_45, %div3A_23 : vector<10x640xi1>, vector<10x640xi32>
    %eq3A = arith.cmpi eq, %iota3A, %select_n3A : vector<10x640xi32>
    %convert_element_type3A = arith.extui %eq3A : vector<10x640xi1> to vector<10x640xi32>
    %convert_element_type3A_46 = arith.sitofp %convert_element_type3A : vector<10x640xi32> to vector<10x640xf32>
    %iota3A_47 = tpu.iota {dimensions = array<i32: 0>} : vector<640x10xi32>
    %jit3A_48 = arith.constant 64 : i32
    %div3A_49 = vector.broadcast %jit3A_48 : i32 to vector<640x10xi32>
    %div3A_50 = arith.divsi %iota3A_47, %div3A_49 : vector<640x10xi32>
    %sign3A_51 = arith.constant 0 : i32
    %sign3A_52 = vector.broadcast %sign3A_51 : i32 to vector<640x10xi32>
    %sign3A_53 = arith.cmpi sgt, %iota3A_47, %sign3A_52 : vector<640x10xi32>
    %sign3A_54 = arith.extui %sign3A_53 : vector<640x10xi1> to vector<640x10xi32>
    %sign3A_55 = arith.constant 0 : i32
    %sign3A_56 = vector.broadcast %sign3A_55 : i32 to vector<640x10xi32>
    %sign3A_57 = arith.cmpi slt, %iota3A_47, %sign3A_56 : vector<640x10xi32>
    %sign3A_58 = arith.extui %sign3A_57 : vector<640x10xi1> to vector<640x10xi32>
    %sign3A_59 = arith.subi %sign3A_54, %sign3A_58 : vector<640x10xi32>
    %sign3A_60 = arith.constant 0 : i32
    %sign3A_61 = arith.cmpi sgt, %jit3A_48, %sign3A_60 : i32
    %sign3A_62 = arith.extui %sign3A_61 : i1 to i32
    %sign3A_63 = arith.constant 0 : i32
    %sign3A_64 = arith.cmpi slt, %jit3A_48, %sign3A_63 : i32
    %sign3A_65 = arith.extui %sign3A_64 : i1 to i32
    %sign3A_66 = arith.subi %sign3A_62, %sign3A_65 : i32
    %ne3A_67 = vector.broadcast %sign3A_66 : i32 to vector<640x10xi32>
    %ne3A_68 = arith.cmpi ne, %sign3A_59, %ne3A_67 : vector<640x10xi32>
    %rem3A_69 = vector.broadcast %jit3A_48 : i32 to vector<640x10xi32>
    %rem3A_70 = arith.remsi %iota3A_47, %rem3A_69 : vector<640x10xi32>
    %ne3A_71 = arith.constant 0 : i32
    %ne3A_72 = vector.broadcast %ne3A_71 : i32 to vector<640x10xi32>
    %ne3A_73 = arith.cmpi ne, %rem3A_70, %ne3A_72 : vector<640x10xi32>
    %and3A_74 = arith.andi %ne3A_68, %ne3A_73 : vector<640x10xi1>
    %sub3A_75 = arith.constant 1 : i32
    %sub3A_76 = vector.broadcast %sub3A_75 : i32 to vector<640x10xi32>
    %sub3A_77 = arith.subi %div3A_50, %sub3A_76 : vector<640x10xi32>
    %select_n3A_78 = arith.select %and3A_74, %sub3A_77, %div3A_50 : vector<640x10xi1>, vector<640x10xi32>
    %iota3A_79 = tpu.iota {dimensions = array<i32: 1>} : vector<640x10xi32>
    %eq3A_80 = arith.cmpi eq, %select_n3A_78, %iota3A_79 : vector<640x10xi32>
    %convert_element_type3A_81 = arith.extui %eq3A_80 : vector<640x10xi1> to vector<640x10xi32>
    %convert_element_type3A_82 = arith.sitofp %convert_element_type3A_81 : vector<640x10xi32> to vector<640x10xf32>
    %iota3A_83 = tpu.iota {dimensions = array<i32: 1>} : vector<1x640xi32>
    %jit3A_84 = arith.constant 64 : i32
    %eq3A_85 = arith.constant 0 : i32
    %eq3A_86 = arith.cmpi eq, %jit3A_84, %eq3A_85 : i32
    %jit3A_87 = arith.constant 1 : i32
    %select_n3A_88 = arith.select %eq3A_86, %jit3A_87, %jit3A_84 : i32
    %rem3A_89 = vector.broadcast %select_n3A_88 : i32 to vector<1x640xi32>
    %rem3A_90 = arith.remsi %iota3A_83, %rem3A_89 : vector<1x640xi32>
    %ne3A_91 = arith.constant 0 : i32
    %ne3A_92 = vector.broadcast %ne3A_91 : i32 to vector<1x640xi32>
    %ne3A_93 = arith.cmpi ne, %rem3A_90, %ne3A_92 : vector<1x640xi32>
    %lt3A = arith.constant 0 : i32
    %lt3A_94 = vector.broadcast %lt3A : i32 to vector<1x640xi32>
    %lt3A_95 = arith.cmpi slt, %rem3A_90, %lt3A_94 : vector<1x640xi32>
    %lt3A_96 = arith.constant 0 : i32
    %lt3A_97 = arith.cmpi slt, %select_n3A_88, %lt3A_96 : i32
    %ne3A_98 = vector.broadcast %lt3A_97 : i1 to vector<1x640xi1>
    %ne3A_99 = vector.broadcast %ne3A_98 : vector<1x640xi1> to vector<1x640xi1>
    %ne3A_100 = arith.xori %lt3A_95, %ne3A_99 : vector<1x640xi1>
    %and3A_101 = arith.andi %ne3A_100, %ne3A_93 : vector<1x640xi1>
    %add3A_102 = vector.broadcast %select_n3A_88 : i32 to vector<1x640xi32>
    %add3A_103 = arith.addi %rem3A_90, %add3A_102 : vector<1x640xi32>
    %select_n3A_104 = arith.select %and3A_101, %add3A_103, %rem3A_90 : vector<1x640xi1>, vector<1x640xi32>
    %convert_element_type3A_105 = arith.sitofp %select_n3A_104 : vector<1x640xi32> to vector<1x640xf32>
    %get3A_106 = arith.constant 0 : index
    %get3A_107 = arith.constant 0 : index
    %get3A_108 = vector.load %arg3[%get3A_106, %get3A_107] : memref<1280x10xf32, #tpu.memory_space<vmem>>, vector<1280x10xf32>
    %get3A_109 = arith.constant 0 : index
    %get3A_110 = arith.constant 0 : index
    %get3A_111 = vector.load %arg4[%get3A_109, %get3A_110] : memref<1280x10xf32, #tpu.memory_space<vmem>>, vector<1280x10xf32>
    %dot_general3A_112 = arith.constant dense<0.000000e+00> : vector<1280x640xf32>
    %dot_general3A_113 = tpu.matmul %get3A_108, %convert_element_type3A_46, %dot_general3A_112 {dimension_numbers = #tpu.dot_dimension_numbers<[1], [0], [0], [1], [0, 0, 1, 1], [], []>, transpose_lhs_hint = false} : vector<1280x10xf32>, vector<10x640xf32>, vector<1280x640xf32> -> vector<1280x640xf32>
    %dot_general3A_114 = arith.constant dense<0.000000e+00> : vector<1280x640xf32>
    %dot_general3A_115 = tpu.matmul %get3A_111, %convert_element_type3A_46, %dot_general3A_114 {dimension_numbers = #tpu.dot_dimension_numbers<[1], [0], [0], [1], [0, 0, 1, 1], [], []>, transpose_lhs_hint = false} : vector<1280x10xf32>, vector<10x640xf32>, vector<1280x640xf32> -> vector<1280x640xf32>
    %eq3A_116 = vector.broadcast %convert_element_type3A_105 : vector<1x640xf32> to vector<1280x640xf32>
    %eq3A_117 = arith.cmpf oeq, %dot_general3A_113, %eq3A_116 : vector<1280x640xf32>
    %jit3A_118 = arith.constant 0.000000e+00 : f32
    %broadcast_in_dim3A = vector.broadcast %jit3A_118 : f32 to vector<1280x640xf32>
    %select_n3A_119 = arith.select %eq3A_117, %dot_general3A_115, %broadcast_in_dim3A : vector<1280x640xi1>, vector<1280x640xf32>
    %jit3A_120 = arith.constant 0.000000e+00 : f32
    %broadcast_in_dim3A_121 = vector.shape_cast %concatenate3A_18 : vector<1x640xf32> to vector<1x640xf32>
    %broadcast_in_dim3A_122 = vector.broadcast %broadcast_in_dim3A_121 : vector<1x640xf32> to vector<1280x640xf32>
    %broadcast_in_dim3A_123 = vector.broadcast %jit3A_120 : f32 to vector<1280x640xf32>
    %select_n3A_124 = arith.select %eq3A_117, %broadcast_in_dim3A_122, %broadcast_in_dim3A_123 : vector<1280x640xi1>, vector<1280x640xf32>
    %dot_general3A_125 = arith.constant dense<0.000000e+00> : vector<1280x10xf32>
    %dot_general3A_126 = tpu.matmul %select_n3A_124, %convert_element_type3A_82, %dot_general3A_125 {dimension_numbers = #tpu.dot_dimension_numbers<[1], [0], [0], [1], [0, 0, 1, 1], [], []>, transpose_lhs_hint = false} : vector<1280x640xf32>, vector<640x10xf32>, vector<1280x10xf32> -> vector<1280x10xf32>
    %swap3A = arith.constant 0 : index
    %swap3A_127 = arith.constant 0 : index
    %swap3A_128 = vector.load %arg15[%swap3A, %swap3A_127] : memref<1280x10xf32, #tpu.memory_space<vmem>>, vector<1280x10xf32>
    tpu.vector_store %arg15[%swap3A, %swap3A_127], %dot_general3A_126 {strides = array<i32>} : memref<1280x10xf32, #tpu.memory_space<vmem>>, vector<1280x10xf32>,
    %slice3A = vector.extract_strided_slice %select_n3A_119 {offsets = [0, 0], sizes = [1280, 128], strides = [1, 1]} : vector<1280x640xf32> to vector<1280x128xf32>
    %slice3A_129 = vector.extract_strided_slice %select_n3A_119 {offsets = [0, 128], sizes = [1280, 128], strides = [1, 1]} : vector<1280x640xf32> to vector<1280x128xf32>
    %add3A_130 = arith.addf %slice3A, %slice3A_129 : vector<1280x128xf32>
    %slice3A_131 = vector.extract_strided_slice %select_n3A_119 {offsets = [0, 256], sizes = [1280, 128], strides = [1, 1]} : vector<1280x640xf32> to vector<1280x128xf32>
    %add3A_132 = arith.addf %add3A_130, %slice3A_131 : vector<1280x128xf32>
    %slice3A_133 = vector.extract_strided_slice %select_n3A_119 {offsets = [0, 384], sizes = [1280, 128], strides = [1, 1]} : vector<1280x640xf32> to vector<1280x128xf32>
    %add3A_134 = arith.addf %add3A_132, %slice3A_133 : vector<1280x128xf32>
    %slice3A_135 = vector.extract_strided_slice %select_n3A_119 {offsets = [0, 512], sizes = [1280, 128], strides = [1, 1]} : vector<1280x640xf32> to vector<1280x128xf32>
    %add3A_136 = arith.addf %add3A_134, %slice3A_135 : vector<1280x128xf32>
    %dot_general3A_137 = arith.constant dense<0.000000e+00> : vector<1280x128xf32>
    %dot_general3A_138 = tpu.matmul %add3A_136, %concatenate3A, %dot_general3A_137 {dimension_numbers = #tpu.dot_dimension_numbers<[1], [0], [0], [1], [0, 0, 1, 1], [], []>, transpose_lhs_hint = false} : vector<1280x128xf32>, vector<128x128xf32>, vector<1280x128xf32> -> vector<1280x128xf32>
    %add3A_139 = vector.broadcast %get3A_21 : vector<1x128xf32> to vector<1280x128xf32>
    %add3A_140 = arith.addf %add3A_139, %dot_general3A_138 : vector<1280x128xf32>
    %swap3A_141 = arith.constant 0 : index
    %swap3A_142 = arith.constant 0 : index
    %swap3A_143 = vector.load %arg13[%swap3A_141, %swap3A_142] : memref<1280x128xf32, #tpu.memory_space<vmem>>, vector<1280x128xf32>
    tpu.vector_store %arg13[%swap3A_141, %swap3A_142], %add3A_140 {strides = array<i32>} : memref<1280x128xf32, #tpu.memory_space<vmem>>, vector<1280x128xf32>,
    %get3A_144 = arith.constant 0 : index
    %get3A_145 = arith.constant 0 : index
    %get3A_146 = vector.load %arg5[%get3A_144, %get3A_145] : memref<1280x10xf32, #tpu.memory_space<vmem>>, vector<1280x10xf32>
    %get3A_147 = arith.constant 0 : index
    %get3A_148 = arith.constant 0 : index
    %get3A_149 = vector.load %arg6[%get3A_147, %get3A_148] : memref<1280x10xf32, #tpu.memory_space<vmem>>, vector<1280x10xf32>
    %dot_general3A_150 = arith.constant dense<0.000000e+00> : vector<1280x640xf32>
    %dot_general3A_151 = tpu.matmul %get3A_146, %convert_element_type3A_46, %dot_general3A_150 {dimension_numbers = #tpu.dot_dimension_numbers<[1], [0], [0], [1], [0, 0, 1, 1], [], []>, transpose_lhs_hint = false} : vector<1280x10xf32>, vector<10x640xf32>, vector<1280x640xf32> -> vector<1280x640xf32>
    %dot_general3A_152 = arith.constant dense<0.000000e+00> : vector<1280x640xf32>
    %dot_general3A_153 = tpu.matmul %get3A_149, %convert_element_type3A_46, %dot_general3A_152 {dimension_numbers = #tpu.dot_dimension_numbers<[1], [0], [0], [1], [0, 0, 1, 1], [], []>, transpose_lhs_hint = false} : vector<1280x10xf32>, vector<10x640xf32>, vector<1280x640xf32> -> vector<1280x640xf32>
    %eq3A_154 = vector.broadcast %convert_element_type3A_105 : vector<1x640xf32> to vector<1280x640xf32>
    %eq3A_155 = arith.cmpf oeq, %dot_general3A_151, %eq3A_154 : vector<1280x640xf32>
    %jit3A_156 = arith.constant 0.000000e+00 : f32
    %broadcast_in_dim3A_157 = vector.broadcast %jit3A_156 : f32 to vector<1280x640xf32>
    %select_n3A_158 = arith.select %eq3A_155, %dot_general3A_153, %broadcast_in_dim3A_157 : vector<1280x640xi1>, vector<1280x640xf32>
    %jit3A_159 = arith.constant 0.000000e+00 : f32
    %broadcast_in_dim3A_160 = vector.shape_cast %concatenate3A_18 : vector<1x640xf32> to vector<1x640xf32>
    %broadcast_in_dim3A_161 = vector.broadcast %broadcast_in_dim3A_160 : vector<1x640xf32> to vector<1280x640xf32>
    %broadcast_in_dim3A_162 = vector.broadcast %jit3A_159 : f32 to vector<1280x640xf32>
    %select_n3A_163 = arith.select %eq3A_155, %broadcast_in_dim3A_161, %broadcast_in_dim3A_162 : vector<1280x640xi1>, vector<1280x640xf32>
    %dot_general3A_164 = arith.constant dense<0.000000e+00> : vector<1280x10xf32>
    %dot_general3A_165 = tpu.matmul %select_n3A_163, %convert_element_type3A_82, %dot_general3A_164 {dimension_numbers = #tpu.dot_dimension_numbers<[1], [0], [0], [1], [0, 0, 1, 1], [], []>, transpose_lhs_hint = false} : vector<1280x640xf32>, vector<640x10xf32>, vector<1280x10xf32> -> vector<1280x10xf32>
    %swap3A_166 = arith.constant 0 : index
    %swap3A_167 = arith.constant 0 : index
    %swap3A_168 = vector.load %arg16[%swap3A_166, %swap3A_167] : memref<1280x10xf32, #tpu.memory_space<vmem>>, vector<1280x10xf32>
    tpu.vector_store %arg16[%swap3A_166, %swap3A_167], %dot_general3A_165 {strides = array<i32>} : memref<1280x10xf32, #tpu.memory_space<vmem>>, vector<1280x10xf32>,
    %slice3A_169 = vector.extract_strided_slice %select_n3A_158 {offsets = [0, 0], sizes = [1280, 128], strides = [1, 1]} : vector<1280x640xf32> to vector<1280x128xf32>
    %slice3A_170 = vector.extract_strided_slice %select_n3A_158 {offsets = [0, 128], sizes = [1280, 128], strides = [1, 1]} : vector<1280x640xf32> to vector<1280x128xf32>
    %add3A_171 = arith.addf %slice3A_169, %slice3A_170 : vector<1280x128xf32>
    %slice3A_172 = vector.extract_strided_slice %select_n3A_158 {offsets = [0, 256], sizes = [1280, 128], strides = [1, 1]} : vector<1280x640xf32> to vector<1280x128xf32>
    %add3A_173 = arith.addf %add3A_171, %slice3A_172 : vector<1280x128xf32>
    %slice3A_174 = vector.extract_strided_slice %select_n3A_158 {offsets = [0, 384], sizes = [1280, 128], strides = [1, 1]} : vector<1280x640xf32> to vector<1280x128xf32>
    %add3A_175 = arith.addf %add3A_173, %slice3A_174 : vector<1280x128xf32>
    %slice3A_176 = vector.extract_strided_slice %select_n3A_158 {offsets = [0, 512], sizes = [1280, 128], strides = [1, 1]} : vector<1280x640xf32> to vector<1280x128xf32>
    %add3A_177 = arith.addf %add3A_175, %slice3A_176 : vector<1280x128xf32>
    %dot_general3A_178 = arith.constant dense<0.000000e+00> : vector<1280x128xf32>
    %dot_general3A_179 = tpu.matmul %add3A_177, %concatenate3A, %dot_general3A_178 {dimension_numbers = #tpu.dot_dimension_numbers<[1], [0], [0], [1], [0, 0, 1, 1], [], []>, transpose_lhs_hint = false} : vector<1280x128xf32>, vector<128x128xf32>, vector<1280x128xf32> -> vector<1280x128xf32>
    %add3A_180 = vector.broadcast %get3A_21 : vector<1x128xf32> to vector<1280x128xf32>
    %add3A_181 = arith.addf %add3A_180, %dot_general3A_179 : vector<1280x128xf32>
    %swap3A_182 = arith.constant 0 : index
    %swap3A_183 = arith.constant 0 : index
    %swap3A_184 = vector.load %arg14[%swap3A_182, %swap3A_183] : memref<1280x128xf32, #tpu.memory_space<vmem>>, vector<1280x128xf32>
    tpu.vector_store %arg14[%swap3A_182, %swap3A_183], %add3A_181 {strides = array<i32>} : memref<1280x128xf32, #tpu.memory_space<vmem>>, vector<1280x128xf32>,
    %get3A_185 = arith.constant 0 : index
    %get3A_186 = arith.constant 0 : index
    %get3A_187 = vector.load %arg1[%get3A_185, %get3A_186] : memref<64x1xi32, #tpu.memory_space<vmem>>, vector<64x1xi32>
    %iota3A_188 = tpu.iota {dimensions = array<i32: 1>} : vector<64x64xi32>
    %eq3A_189 = vector.broadcast %get3A_187 : vector<64x1xi32> to vector<64x64xi32>
    %eq3A_190 = arith.cmpi eq, %eq3A_189, %iota3A_188 : vector<64x64xi32>
    %convert_element_type3A_191 = arith.extui %eq3A_190 : vector<64x64xi1> to vector<64x64xi32>
    %convert_element_type3A_192 = arith.sitofp %convert_element_type3A_191 : vector<64x64xi32> to vector<64x64xf32>
    %dot_general3A_193 = arith.constant dense<0.000000e+00> : vector<64x128xf32>
    %dot_general3A_194 = tpu.matmul %convert_element_type3A_192, %dot_general3A_5, %dot_general3A_193 {dimension_numbers = #tpu.dot_dimension_numbers<[1], [0], [0], [1], [0, 0, 1, 1], [], []>, transpose_lhs_hint = false} : vector<64x64xf32>, vector<64x128xf32>, vector<64x128xf32> -> vector<64x128xf32>
    %swap3A_195 = arith.constant 0 : index
    %swap3A_196 = arith.constant 0 : index
    %swap3A_197 = vector.load %arg17[%swap3A_195, %swap3A_196] : memref<64x130xf32, #tpu.memory_space<vmem>>, vector<64x128xf32>
    tpu.vector_store %arg17[%swap3A_195, %swap3A_196], %dot_general3A_194 {strides = array<i32>} : memref<64x130xf32, #tpu.memory_space<vmem>>, vector<64x128xf32>,
    %mul3A = vector.broadcast %add3A_17 : vector<1x64xf32> to vector<64x64xf32>
    %mul3A_198 = arith.mulf %convert_element_type3A_192, %mul3A : vector<64x64xf32>
    %broadcast_in_dim3A_199 = arith.constant 1.000000e+00 : f32
    %broadcast_in_dim3A_200 = vector.broadcast %broadcast_in_dim3A_199 : f32 to vector<64x1xf32>
    %dot_general3A_201 = arith.constant dense<0.000000e+00> : vector<64x1xf32>
    %dot_general3A_202 = tpu.matmul %mul3A_198, %broadcast_in_dim3A_200, %dot_general3A_201 {dimension_numbers = #tpu.dot_dimension_numbers<[1], [0], [0], [1], [0, 0, 1, 1], [], []>, transpose_lhs_hint = false} : vector<64x64xf32>, vector<64x1xf32>, vector<64x1xf32> -> vector<64x1xf32>
    %swap3A_203 = arith.constant 0 : index
    %swap3A_204 = arith.constant 128 : index
    %swap3A_205 = vector.load %arg17[%swap3A_203, %swap3A_204] : memref<64x130xf32, #tpu.memory_space<vmem>>, vector<64x1xf32>
    tpu.vector_store %arg17[%swap3A_203, %swap3A_204], %dot_general3A_202 {strides = array<i32>} : memref<64x130xf32, #tpu.memory_space<vmem>>, vector<64x1xf32>,
    %get3A_206 = arith.constant 0 : index
    %get3A_207 = arith.constant 0 : index
    %get3A_208 = vector.load %arg2[%get3A_206, %get3A_207] : memref<64x1xf32, #tpu.memory_space<vmem>>, vector<64x1xf32>
    %swap3A_209 = arith.constant 0 : index
    %swap3A_210 = arith.constant 129 : index
    %swap3A_211 = vector.load %arg17[%swap3A_209, %swap3A_210] : memref<64x130xf32, #tpu.memory_space<vmem>>, vector<64x1xf32>
    tpu.vector_store %arg17[%swap3A_209, %swap3A_210], %get3A_208 {strides = array<i32>} : memref<64x130xf32, #tpu.memory_space<vmem>>, vector<64x1xf32>,
    return
  }
  func.func @transform_0(%arg0: i32) -> (i32, i32) {
    %c0_i32 = arith.constant 0 : i32
    %c0_i32_0 = arith.constant 0 : i32
    return %arg0, %c0_i32 : i32, i32
  }
  func.func @transform_1(%arg0: i32) -> (i32, i32) {
    %c0_i32 = arith.constant 0 : i32
    %c0_i32_0 = arith.constant 0 : i32
    return %arg0, %c0_i32 : i32, i32
  }
  func.func @transform_2(%arg0: i32) -> (i32, i32) {
    %c0_i32 = arith.constant 0 : i32
    %c0_i32_0 = arith.constant 0 : i32
    return %arg0, %c0_i32 : i32, i32
  }
  func.func @transform_3(%arg0: i32) -> (i32, i32) {
    %c0_i32 = arith.constant 0 : i32
    %c0_i32_0 = arith.constant 0 : i32
    return %arg0, %c0_i32 : i32, i32
  }
  func.func @transform_4(%arg0: i32) -> (i32, i32) {
    %c0_i32 = arith.constant 0 : i32
    %c0_i32_0 = arith.constant 0 : i32
    return %arg0, %c0_i32 : i32, i32
  }
  func.func @transform_5(%arg0: i32) -> (i32, i32) {
    %c0_i32 = arith.constant 0 : i32
    %c0_i32_0 = arith.constant 0 : i32
    return %arg0, %c0_i32 : i32, i32
  }
  func.func @transform_6(%arg0: i32) -> (i32, i32) {
    %c0_i32 = arith.constant 0 : i32
    %c0_i32_0 = arith.constant 0 : i32
    %c0_i32_1 = arith.constant 0 : i32
    return %c0_i32, %c0_i32_0 : i32, i32
  }
  func.func @transform_7(%arg0: i32) -> (i32, i32) {
    %c0_i32 = arith.constant 0 : i32
    %c0_i32_0 = arith.constant 0 : i32
    %c0_i32_1 = arith.constant 0 : i32
    return %c0_i32, %c0_i32_0 : i32, i32
  }
  func.func @transform_8(%arg0: i32) -> (i32, i32) {
    %c0_i32 = arith.constant 0 : i32
    %c0_i32_0 = arith.constant 0 : i32
    %c0_i32_1 = arith.constant 0 : i32
    return %c0_i32, %c0_i32_0 : i32, i32
  }
  func.func @transform_9(%arg0: i32) -> (i32, i32) {
    %c0_i32 = arith.constant 0 : i32
    %c0_i32_0 = arith.constant 0 : i32
    %c0_i32_1 = arith.constant 0 : i32
    return %c0_i32, %c0_i32_0 : i32, i32
  }
  func.func @transform_10(%arg0: i32) -> (i32, i32) {
    %c0_i32 = arith.constant 0 : i32
    %c0_i32_0 = arith.constant 0 : i32
    %c0_i32_1 = arith.constant 0 : i32
    return %c0_i32, %c0_i32_0 : i32, i32
  }
  func.func @transform_11(%arg0: i32) -> (i32, i32) {
    %c0_i32 = arith.constant 0 : i32
    %c0_i32_0 = arith.constant 0 : i32
    %c0_i32_1 = arith.constant 0 : i32
    return %c0_i32, %c0_i32_0 : i32, i32
  }
  func.func @transform_12(%arg0: i32) -> (i32, i32) {
    %c0_i32 = arith.constant 0 : i32
    %c0_i32_0 = arith.constant 0 : i32
    return %arg0, %c0_i32 : i32, i32
  }
  func.func @transform_13(%arg0: i32) -> (i32, i32) {
    %c0_i32 = arith.constant 0 : i32
    %c0_i32_0 = arith.constant 0 : i32
    return %arg0, %c0_i32 : i32, i32
  }
  func.func @transform_14(%arg0: i32) -> (i32, i32) {
    %c0_i32 = arith.constant 0 : i32
    %c0_i32_0 = arith.constant 0 : i32
    return %arg0, %c0_i32 : i32, i32
  }
  func.func @transform_15(%arg0: i32) -> (i32, i32) {
    %c0_i32 = arith.constant 0 : i32
    %c0_i32_0 = arith.constant 0 : i32
    return %arg0, %c0_i32 : i32, i32
  }
  func.func @transform_16(%arg0: i32) -> (i32, i32) {
    %c0_i32 = arith.constant 0 : i32
    %c0_i32_0 = arith.constant 0 : i32
    return %arg0, %c0_i32 : i32, i32
  }
}

module attributes {stable_mosaic.version = 14 : i64} {
  func.func @_tc2_body(%arg0: i32, %arg1: memref<64x128xf32, #tpu.memory_space<vmem>>, %arg2: memref<1280x128xf32, #tpu.memory_space<vmem>>, %arg3: memref<1280x128xf32, #tpu.memory_space<vmem>>, %arg4: memref<1280x128xf32, #tpu.memory_space<vmem>>, %arg5: memref<1280x128xf32, #tpu.memory_space<vmem>>, %arg6: memref<1280x10xf32, #tpu.memory_space<vmem>>, %arg7: memref<1280x10xf32, #tpu.memory_space<vmem>>, %arg8: memref<1280x10xf32, #tpu.memory_space<vmem>>, %arg9: memref<1280x10xf32, #tpu.memory_space<vmem>>, %arg10: memref<64x130xf32, #tpu.memory_space<vmem>>, %arg11: memref<128x128xf32, #tpu.memory_space<vmem>>, %arg12: memref<128x1xf32, #tpu.memory_space<vmem>>, %arg13: memref<1x128xf32, #tpu.memory_space<vmem>>, %arg14: memref<1x1xf32, #tpu.memory_space<vmem>>) attributes {dimension_semantics = [#tpu.dimension_semantics<arbitrary>], iteration_bounds = array<i64: 16>, scalar_prefetch = 0 : i64, scratch_operands = 0 : i64, tpu.core_type = #tpu.core_type<tc>, window_params = [{transform_indices = @transform_0, window_bounds = array<i64: 64, 128>}, {transform_indices = @transform_1, window_bounds = array<i64: 1280, 128>}, {transform_indices = @transform_2, window_bounds = array<i64: 1280, 128>}, {transform_indices = @transform_3, window_bounds = array<i64: 1280, 128>}, {transform_indices = @transform_4, window_bounds = array<i64: 1280, 128>}, {transform_indices = @transform_5, window_bounds = array<i64: 1280, 10>}, {transform_indices = @transform_6, window_bounds = array<i64: 1280, 10>}, {transform_indices = @transform_7, window_bounds = array<i64: 1280, 10>}, {transform_indices = @transform_8, window_bounds = array<i64: 1280, 10>}, {transform_indices = @transform_9, window_bounds = array<i64: 64, 130>}, {pipeline_mode = #tpu.pipeline_mode<synchronous>, transform_indices = @transform_10, window_bounds = array<i64: 128, 128>}, {pipeline_mode = #tpu.pipeline_mode<synchronous>, transform_indices = @transform_11, window_bounds = array<i64: 128, 1>}, {pipeline_mode = #tpu.pipeline_mode<synchronous>, transform_indices = @transform_12, window_bounds = array<i64: 1, 128>}, {pipeline_mode = #tpu.pipeline_mode<synchronous>, transform_indices = @transform_13, window_bounds = array<i64: 1, 1>}]} {
    %get3A = arith.constant 0 : index
    %get3A_0 = arith.constant 0 : index
    %get3A_1 = vector.load %arg11[%get3A, %get3A_0] : memref<128x128xf32, #tpu.memory_space<vmem>>, vector<128x128xf32>
    %convert_element_type3A = arith.truncf %get3A_1 : vector<128x128xf32> to vector<128x128xbf16>
    %get3A_2 = arith.constant 0 : index
    %get3A_3 = arith.constant 0 : index
    %get3A_4 = vector.load %arg12[%get3A_2, %get3A_3] : memref<128x1xf32, #tpu.memory_space<vmem>>, vector<128x1xf32>
    %broadcast_in_dim3A = arith.constant 1.000000e+00 : f32
    %broadcast_in_dim3A_5 = vector.broadcast %broadcast_in_dim3A : f32 to vector<128x1xf32>
    %broadcast_in_dim3A_6 = arith.constant 1.000000e+00 : f32
    %broadcast_in_dim3A_7 = vector.broadcast %broadcast_in_dim3A_6 : f32 to vector<10x1xf32>
    %get3A_8 = arith.constant 0 : index
    %get3A_9 = arith.constant 0 : index
    %get3A_10 = vector.load %arg1[%get3A_8, %get3A_9] : memref<64x128xf32, #tpu.memory_space<vmem>>, vector<64x128xf32>
    %get3A_11 = arith.constant 0 : index
    %get3A_12 = arith.constant 0 : index
    %get3A_13 = vector.load %arg10[%get3A_11, %get3A_12] : memref<64x130xf32, #tpu.memory_space<vmem>>, vector<64x130xf32>
    %convert_element_type3A_14 = arith.truncf %get3A_10 : vector<64x128xf32> to vector<64x128xbf16>
    %dot_general3A = arith.constant dense<0.000000e+00> : vector<64x128xf32>
    %dot_general3A_15 = tpu.matmul %convert_element_type3A_14, %convert_element_type3A, %dot_general3A {dimension_numbers = #tpu.dot_dimension_numbers<[1], [0], [0], [1], [0, 0, 1, 1], [], []>, transpose_lhs_hint = false} : vector<64x128xbf16>, vector<128x128xbf16>, vector<64x128xf32> -> vector<64x128xf32>
    %slice3A = vector.extract_strided_slice %get3A_13 {offsets = [0, 0], sizes = [64, 128], strides = [1, 1]} : vector<64x130xf32> to vector<64x128xf32>
    %add3A = arith.addf %dot_general3A_15, %slice3A : vector<64x128xf32>
    %get3A_16 = arith.constant 0 : index
    %get3A_17 = arith.constant 0 : index
    %get3A_18 = vector.load %arg13[%get3A_16, %get3A_17] : memref<1x128xf32, #tpu.memory_space<vmem>>, vector<1x128xf32>
    %add3A_19 = vector.broadcast %get3A_18 : vector<1x128xf32> to vector<64x128xf32>
    %add3A_20 = arith.addf %add3A, %add3A_19 : vector<64x128xf32>
    %dot_general3A_21 = arith.constant dense<0.000000e+00> : vector<64x1xf32>
    %dot_general3A_22 = tpu.matmul %get3A_10, %get3A_4, %dot_general3A_21 {dimension_numbers = #tpu.dot_dimension_numbers<[1], [0], [0], [1], [0, 0, 1, 1], [], []>, transpose_lhs_hint = false} : vector<64x128xf32>, vector<128x1xf32>, vector<64x1xf32> -> vector<64x1xf32>
    %slice3A_23 = vector.extract_strided_slice %get3A_13 {offsets = [0, 128], sizes = [64, 1], strides = [1, 1]} : vector<64x130xf32> to vector<64x1xf32>
    %add3A_24 = arith.addf %dot_general3A_22, %slice3A_23 : vector<64x1xf32>
    %max3A = arith.constant 0.000000e+00 : f32
    %max3A_25 = vector.broadcast %max3A : f32 to vector<64x1xf32>
    %max3A_26 = arith.maximumf %add3A_24, %max3A_25 : vector<64x1xf32>
    %abs3A = math.absf %add3A_24 : vector<64x1xf32>
    %neg3A = arith.constant 0.000000e+00 : f32
    %neg3A_27 = vector.broadcast %neg3A : f32 to vector<64x1xf32>
    %neg3A_28 = arith.subf %neg3A_27, %abs3A : vector<64x1xf32>
    %exp3A = math.exp %neg3A_28 : vector<64x1xf32>
    %add3A_29 = arith.constant 1.000000e+00 : f32
    %add3A_30 = vector.broadcast %add3A_29 : f32 to vector<64x1xf32>
    %add3A_31 = arith.addf %add3A_30, %exp3A : vector<64x1xf32>
    %log3A = math.log %add3A_31 : vector<64x1xf32>
    %add3A_32 = arith.addf %max3A_26, %log3A : vector<64x1xf32>
    %iota3A = tpu.iota {dimensions = array<i32: 0>} : vector<1280x1xi32>
    %jit3A = arith.constant 20 : i32
    %div3A = vector.broadcast %jit3A : i32 to vector<1280x1xi32>
    %div3A_33 = arith.divsi %iota3A, %div3A : vector<1280x1xi32>
    %sign3A = arith.constant 0 : i32
    %sign3A_34 = vector.broadcast %sign3A : i32 to vector<1280x1xi32>
    %sign3A_35 = arith.cmpi sgt, %iota3A, %sign3A_34 : vector<1280x1xi32>
    %sign3A_36 = arith.extui %sign3A_35 : vector<1280x1xi1> to vector<1280x1xi32>
    %sign3A_37 = arith.constant 0 : i32
    %sign3A_38 = vector.broadcast %sign3A_37 : i32 to vector<1280x1xi32>
    %sign3A_39 = arith.cmpi slt, %iota3A, %sign3A_38 : vector<1280x1xi32>
    %sign3A_40 = arith.extui %sign3A_39 : vector<1280x1xi1> to vector<1280x1xi32>
    %sign3A_41 = arith.subi %sign3A_36, %sign3A_40 : vector<1280x1xi32>
    %sign3A_42 = arith.constant 0 : i32
    %sign3A_43 = arith.cmpi sgt, %jit3A, %sign3A_42 : i32
    %sign3A_44 = arith.extui %sign3A_43 : i1 to i32
    %sign3A_45 = arith.constant 0 : i32
    %sign3A_46 = arith.cmpi slt, %jit3A, %sign3A_45 : i32
    %sign3A_47 = arith.extui %sign3A_46 : i1 to i32
    %sign3A_48 = arith.subi %sign3A_44, %sign3A_47 : i32
    %ne3A = vector.broadcast %sign3A_48 : i32 to vector<1280x1xi32>
    %ne3A_49 = arith.cmpi ne, %sign3A_41, %ne3A : vector<1280x1xi32>
    %rem3A = vector.broadcast %jit3A : i32 to vector<1280x1xi32>
    %rem3A_50 = arith.remsi %iota3A, %rem3A : vector<1280x1xi32>
    %ne3A_51 = arith.constant 0 : i32
    %ne3A_52 = vector.broadcast %ne3A_51 : i32 to vector<1280x1xi32>
    %ne3A_53 = arith.cmpi ne, %rem3A_50, %ne3A_52 : vector<1280x1xi32>
    %and3A = arith.andi %ne3A_49, %ne3A_53 : vector<1280x1xi1>
    %sub3A = arith.constant 1 : i32
    %sub3A_54 = vector.broadcast %sub3A : i32 to vector<1280x1xi32>
    %sub3A_55 = arith.subi %div3A_33, %sub3A_54 : vector<1280x1xi32>
    %select_n3A = arith.select %and3A, %sub3A_55, %div3A_33 : vector<1280x1xi1>, vector<1280x1xi32>
    %iota3A_56 = tpu.iota {dimensions = array<i32: 1>} : vector<1280x64xi32>
    %eq3A = vector.broadcast %select_n3A : vector<1280x1xi32> to vector<1280x64xi32>
    %eq3A_57 = arith.cmpi eq, %eq3A, %iota3A_56 : vector<1280x64xi32>
    %convert_element_type3A_58 = arith.extui %eq3A_57 : vector<1280x64xi1> to vector<1280x64xi32>
    %convert_element_type3A_59 = arith.sitofp %convert_element_type3A_58 : vector<1280x64xi32> to vector<1280x64xf32>
    %dot_general3A_60 = arith.constant dense<0.000000e+00> : vector<1280x128xf32>
    %dot_general3A_61 = tpu.matmul %convert_element_type3A_59, %add3A_20, %dot_general3A_60 {dimension_numbers = #tpu.dot_dimension_numbers<[1], [0], [0], [1], [0, 0, 1, 1], [], []>, transpose_lhs_hint = false} : vector<1280x64xf32>, vector<64x128xf32>, vector<1280x128xf32> -> vector<1280x128xf32>
    %dot_general3A_62 = arith.constant dense<0.000000e+00> : vector<1280x1xf32>
    %dot_general3A_63 = tpu.matmul %convert_element_type3A_59, %add3A_32, %dot_general3A_62 {dimension_numbers = #tpu.dot_dimension_numbers<[1], [0], [0], [1], [0, 0, 1, 1], [], []>, transpose_lhs_hint = false} : vector<1280x64xf32>, vector<64x1xf32>, vector<1280x1xf32> -> vector<1280x1xf32>
    %slice3A_64 = vector.extract_strided_slice %get3A_13 {offsets = [0, 129], sizes = [64, 1], strides = [1, 1]} : vector<64x130xf32> to vector<64x1xf32>
    %dot_general3A_65 = arith.constant dense<0.000000e+00> : vector<1280x1xf32>
    %dot_general3A_66 = tpu.matmul %convert_element_type3A_59, %slice3A_64, %dot_general3A_65 {dimension_numbers = #tpu.dot_dimension_numbers<[1], [0], [0], [1], [0, 0, 1, 1], [], []>, transpose_lhs_hint = false} : vector<1280x64xf32>, vector<64x1xf32>, vector<1280x1xf32> -> vector<1280x1xf32>
    %get3A_67 = arith.constant 0 : index
    %get3A_68 = arith.constant 0 : index
    %get3A_69 = vector.load %arg2[%get3A_67, %get3A_68] : memref<1280x128xf32, #tpu.memory_space<vmem>>, vector<1280x128xf32>
    %convert_element_type3A_70 = arith.truncf %get3A_69 : vector<1280x128xf32> to vector<1280x128xbf16>
    %dot_general3A_71 = arith.constant dense<0.000000e+00> : vector<1280x128xf32>
    %dot_general3A_72 = tpu.matmul %convert_element_type3A_70, %convert_element_type3A, %dot_general3A_71 {dimension_numbers = #tpu.dot_dimension_numbers<[1], [0], [0], [1], [0, 0, 1, 1], [], []>, transpose_lhs_hint = false} : vector<1280x128xbf16>, vector<128x128xbf16>, vector<1280x128xf32> -> vector<1280x128xf32>
    %get3A_73 = arith.constant 0 : index
    %get3A_74 = arith.constant 0 : index
    %get3A_75 = vector.load %arg4[%get3A_73, %get3A_74] : memref<1280x128xf32, #tpu.memory_space<vmem>>, vector<1280x128xf32>
    %add3A_76 = arith.addf %dot_general3A_72, %get3A_75 : vector<1280x128xf32>
    %dot_general3A_77 = arith.constant dense<0.000000e+00> : vector<1280x1xf32>
    %dot_general3A_78 = tpu.matmul %get3A_69, %get3A_4, %dot_general3A_77 {dimension_numbers = #tpu.dot_dimension_numbers<[1], [0], [0], [1], [0, 0, 1, 1], [], []>, transpose_lhs_hint = false} : vector<1280x128xf32>, vector<128x1xf32>, vector<1280x1xf32> -> vector<1280x1xf32>
    %broadcast_in_dim3A_79 = arith.constant 1.000000e+00 : f32
    %broadcast_in_dim3A_80 = vector.broadcast %broadcast_in_dim3A_79 : f32 to vector<1x10xf32>
    %dot_general3A_81 = arith.constant dense<0.000000e+00> : vector<1280x10xf32>
    %dot_general3A_82 = tpu.matmul %dot_general3A_78, %broadcast_in_dim3A_80, %dot_general3A_81 {dimension_numbers = #tpu.dot_dimension_numbers<[1], [0], [0], [1], [0, 0, 1, 1], [], []>, transpose_lhs_hint = false} : vector<1280x1xf32>, vector<1x10xf32>, vector<1280x10xf32> -> vector<1280x10xf32>
    %get3A_83 = arith.constant 0 : index
    %get3A_84 = arith.constant 0 : index
    %get3A_85 = vector.load %arg8[%get3A_83, %get3A_84] : memref<1280x10xf32, #tpu.memory_space<vmem>>, vector<1280x10xf32>
    %get3A_86 = arith.constant 0 : index
    %get3A_87 = arith.constant 0 : index
    %get3A_88 = vector.load %arg6[%get3A_86, %get3A_87] : memref<1280x10xf32, #tpu.memory_space<vmem>>, vector<1280x10xf32>
    %add3A_89 = arith.addf %dot_general3A_82, %get3A_88 : vector<1280x10xf32>
    %max3A_90 = arith.constant 0.000000e+00 : f32
    %max3A_91 = vector.broadcast %max3A_90 : f32 to vector<1280x10xf32>
    %max3A_92 = arith.maximumf %add3A_89, %max3A_91 : vector<1280x10xf32>
    %abs3A_93 = math.absf %add3A_89 : vector<1280x10xf32>
    %neg3A_94 = arith.constant 0.000000e+00 : f32
    %neg3A_95 = vector.broadcast %neg3A_94 : f32 to vector<1280x10xf32>
    %neg3A_96 = arith.subf %neg3A_95, %abs3A_93 : vector<1280x10xf32>
    %exp3A_97 = math.exp %neg3A_96 : vector<1280x10xf32>
    %add3A_98 = arith.constant 1.000000e+00 : f32
    %add3A_99 = vector.broadcast %add3A_98 : f32 to vector<1280x10xf32>
    %add3A_100 = arith.addf %add3A_99, %exp3A_97 : vector<1280x10xf32>
    %log3A_101 = math.log %add3A_100 : vector<1280x10xf32>
    %add3A_102 = arith.addf %max3A_92, %log3A_101 : vector<1280x10xf32>
    %mul3A = arith.mulf %get3A_85, %add3A_102 : vector<1280x10xf32>
    %dot_general3A_103 = arith.constant dense<0.000000e+00> : vector<1280x1xf32>
    %dot_general3A_104 = tpu.matmul %mul3A, %broadcast_in_dim3A_7, %dot_general3A_103 {dimension_numbers = #tpu.dot_dimension_numbers<[1], [0], [0], [1], [0, 0, 1, 1], [], []>, transpose_lhs_hint = false} : vector<1280x10xf32>, vector<10x1xf32>, vector<1280x1xf32> -> vector<1280x1xf32>
    %add3A_105 = arith.constant 1.000000e-03 : f32
    %add3A_106 = vector.broadcast %add3A_105 : f32 to vector<1280x1xf32>
    %add3A_107 = arith.addf %dot_general3A_104, %add3A_106 : vector<1280x1xf32>
    %get3A_108 = arith.constant 0 : index
    %get3A_109 = arith.constant 0 : index
    %get3A_110 = vector.load %arg3[%get3A_108, %get3A_109] : memref<1280x128xf32, #tpu.memory_space<vmem>>, vector<1280x128xf32>
    %convert_element_type3A_111 = arith.truncf %get3A_110 : vector<1280x128xf32> to vector<1280x128xbf16>
    %dot_general3A_112 = arith.constant dense<0.000000e+00> : vector<1280x128xf32>
    %dot_general3A_113 = tpu.matmul %convert_element_type3A_111, %convert_element_type3A, %dot_general3A_112 {dimension_numbers = #tpu.dot_dimension_numbers<[1], [0], [0], [1], [0, 0, 1, 1], [], []>, transpose_lhs_hint = false} : vector<1280x128xbf16>, vector<128x128xbf16>, vector<1280x128xf32> -> vector<1280x128xf32>
    %get3A_114 = arith.constant 0 : index
    %get3A_115 = arith.constant 0 : index
    %get3A_116 = vector.load %arg5[%get3A_114, %get3A_115] : memref<1280x128xf32, #tpu.memory_space<vmem>>, vector<1280x128xf32>
    %add3A_117 = arith.addf %dot_general3A_113, %get3A_116 : vector<1280x128xf32>
    %dot_general3A_118 = arith.constant dense<0.000000e+00> : vector<1280x1xf32>
    %dot_general3A_119 = tpu.matmul %get3A_110, %get3A_4, %dot_general3A_118 {dimension_numbers = #tpu.dot_dimension_numbers<[1], [0], [0], [1], [0, 0, 1, 1], [], []>, transpose_lhs_hint = false} : vector<1280x128xf32>, vector<128x1xf32>, vector<1280x1xf32> -> vector<1280x1xf32>
    %broadcast_in_dim3A_120 = arith.constant 1.000000e+00 : f32
    %broadcast_in_dim3A_121 = vector.broadcast %broadcast_in_dim3A_120 : f32 to vector<1x10xf32>
    %dot_general3A_122 = arith.constant dense<0.000000e+00> : vector<1280x10xf32>
    %dot_general3A_123 = tpu.matmul %dot_general3A_119, %broadcast_in_dim3A_121, %dot_general3A_122 {dimension_numbers = #tpu.dot_dimension_numbers<[1], [0], [0], [1], [0, 0, 1, 1], [], []>, transpose_lhs_hint = false} : vector<1280x1xf32>, vector<1x10xf32>, vector<1280x10xf32> -> vector<1280x10xf32>
    %get3A_124 = arith.constant 0 : index
    %get3A_125 = arith.constant 0 : index
    %get3A_126 = vector.load %arg9[%get3A_124, %get3A_125] : memref<1280x10xf32, #tpu.memory_space<vmem>>, vector<1280x10xf32>
    %get3A_127 = arith.constant 0 : index
    %get3A_128 = arith.constant 0 : index
    %get3A_129 = vector.load %arg7[%get3A_127, %get3A_128] : memref<1280x10xf32, #tpu.memory_space<vmem>>, vector<1280x10xf32>
    %add3A_130 = arith.addf %dot_general3A_123, %get3A_129 : vector<1280x10xf32>
    %max3A_131 = arith.constant 0.000000e+00 : f32
    %max3A_132 = vector.broadcast %max3A_131 : f32 to vector<1280x10xf32>
    %max3A_133 = arith.maximumf %add3A_130, %max3A_132 : vector<1280x10xf32>
    %abs3A_134 = math.absf %add3A_130 : vector<1280x10xf32>
    %neg3A_135 = arith.constant 0.000000e+00 : f32
    %neg3A_136 = vector.broadcast %neg3A_135 : f32 to vector<1280x10xf32>
    %neg3A_137 = arith.subf %neg3A_136, %abs3A_134 : vector<1280x10xf32>
    %exp3A_138 = math.exp %neg3A_137 : vector<1280x10xf32>
    %add3A_139 = arith.constant 1.000000e+00 : f32
    %add3A_140 = vector.broadcast %add3A_139 : f32 to vector<1280x10xf32>
    %add3A_141 = arith.addf %add3A_140, %exp3A_138 : vector<1280x10xf32>
    %log3A_142 = math.log %add3A_141 : vector<1280x10xf32>
    %add3A_143 = arith.addf %max3A_133, %log3A_142 : vector<1280x10xf32>
    %mul3A_144 = arith.mulf %get3A_126, %add3A_143 : vector<1280x10xf32>
    %dot_general3A_145 = arith.constant dense<0.000000e+00> : vector<1280x1xf32>
    %dot_general3A_146 = tpu.matmul %mul3A_144, %broadcast_in_dim3A_7, %dot_general3A_145 {dimension_numbers = #tpu.dot_dimension_numbers<[1], [0], [0], [1], [0, 0, 1, 1], [], []>, transpose_lhs_hint = false} : vector<1280x10xf32>, vector<10x1xf32>, vector<1280x1xf32> -> vector<1280x1xf32>
    %add3A_147 = arith.constant 1.000000e-03 : f32
    %add3A_148 = vector.broadcast %add3A_147 : f32 to vector<1280x1xf32>
    %add3A_149 = arith.addf %dot_general3A_146, %add3A_148 : vector<1280x1xf32>
    %mul3A_150 = arith.constant 1.280000e+02 : f32
    %mul3A_151 = vector.broadcast %mul3A_150 : f32 to vector<1280x1xf32>
    %mul3A_152 = arith.mulf %mul3A_151, %dot_general3A_63 : vector<1280x1xf32>
    %mul3A_153 = arith.mulf %mul3A_152, %dot_general3A_63 : vector<1280x1xf32>
    %sub3A_154 = arith.subf %dot_general3A_61, %add3A_76 : vector<1280x128xf32>
    %sub3A_155 = arith.subf %dot_general3A_61, %add3A_117 : vector<1280x128xf32>
    %mul3A_156 = arith.mulf %sub3A_154, %sub3A_154 : vector<1280x128xf32>
    %dot_general3A_157 = arith.constant dense<0.000000e+00> : vector<1280x1xf32>
    %dot_general3A_158 = tpu.matmul %mul3A_156, %broadcast_in_dim3A_5, %dot_general3A_157 {dimension_numbers = #tpu.dot_dimension_numbers<[1], [0], [0], [1], [0, 0, 1, 1], [], []>, transpose_lhs_hint = false} : vector<1280x128xf32>, vector<128x1xf32>, vector<1280x1xf32> -> vector<1280x1xf32>
    %mul3A_159 = arith.mulf %sub3A_155, %sub3A_155 : vector<1280x128xf32>
    %dot_general3A_160 = arith.constant dense<0.000000e+00> : vector<1280x1xf32>
    %dot_general3A_161 = tpu.matmul %mul3A_159, %broadcast_in_dim3A_5, %dot_general3A_160 {dimension_numbers = #tpu.dot_dimension_numbers<[1], [0], [0], [1], [0, 0, 1, 1], [], []>, transpose_lhs_hint = false} : vector<1280x128xf32>, vector<128x1xf32>, vector<1280x1xf32> -> vector<1280x1xf32>
    %log3A_162 = math.log %add3A_107 : vector<1280x1xf32>
    %log3A_163 = math.log %add3A_149 : vector<1280x1xf32>
    %sub3A_164 = arith.subf %log3A_162, %log3A_163 : vector<1280x1xf32>
    %mul3A_165 = arith.constant 1.280000e+02 : f32
    %mul3A_166 = vector.broadcast %mul3A_165 : f32 to vector<1280x1xf32>
    %mul3A_167 = arith.mulf %mul3A_166, %sub3A_164 : vector<1280x1xf32>
    %add3A_168 = arith.addf %mul3A_153, %dot_general3A_158 : vector<1280x1xf32>
    %mul3A_169 = arith.constant 2.000000e+00 : f32
    %mul3A_170 = vector.broadcast %mul3A_169 : f32 to vector<1280x1xf32>
    %mul3A_171 = arith.mulf %mul3A_170, %add3A_107 : vector<1280x1xf32>
    %mul3A_172 = arith.mulf %mul3A_171, %add3A_107 : vector<1280x1xf32>
    %div3A_173 = arith.divf %add3A_168, %mul3A_172 : vector<1280x1xf32>
    %add3A_174 = arith.addf %mul3A_167, %div3A_173 : vector<1280x1xf32>
    %add3A_175 = arith.addf %mul3A_153, %dot_general3A_161 : vector<1280x1xf32>
    %mul3A_176 = arith.constant 2.000000e+00 : f32
    %mul3A_177 = vector.broadcast %mul3A_176 : f32 to vector<1280x1xf32>
    %mul3A_178 = arith.mulf %mul3A_177, %add3A_149 : vector<1280x1xf32>
    %mul3A_179 = arith.mulf %mul3A_178, %add3A_149 : vector<1280x1xf32>
    %div3A_180 = arith.divf %add3A_175, %mul3A_179 : vector<1280x1xf32>
    %sub3A_181 = arith.subf %add3A_174, %div3A_180 : vector<1280x1xf32>
    %add3A_182 = arith.constant 1.000000e+00 : f32
    %add3A_183 = vector.broadcast %add3A_182 : f32 to vector<1280x1xf32>
    %add3A_184 = arith.addf %sub3A_181, %add3A_183 : vector<1280x1xf32>
    %max3A_185 = arith.constant 0.000000e+00 : f32
    %max3A_186 = vector.broadcast %max3A_185 : f32 to vector<1280x1xf32>
    %max3A_187 = arith.maximumf %add3A_184, %max3A_186 : vector<1280x1xf32>
    %iota3A_188 = tpu.iota {dimensions = array<i32: 0>} : vector<1280x1xi32>
    %jit3A_189 = arith.constant 20 : i32
    %eq3A_190 = arith.constant 0 : i32
    %eq3A_191 = arith.cmpi eq, %jit3A_189, %eq3A_190 : i32
    %jit3A_192 = arith.constant 1 : i32
    %select_n3A_193 = arith.select %eq3A_191, %jit3A_192, %jit3A_189 : i32
    %rem3A_194 = vector.broadcast %select_n3A_193 : i32 to vector<1280x1xi32>
    %rem3A_195 = arith.remsi %iota3A_188, %rem3A_194 : vector<1280x1xi32>
    %ne3A_196 = arith.constant 0 : i32
    %ne3A_197 = vector.broadcast %ne3A_196 : i32 to vector<1280x1xi32>
    %ne3A_198 = arith.cmpi ne, %rem3A_195, %ne3A_197 : vector<1280x1xi32>
    %lt3A = arith.constant 0 : i32
    %lt3A_199 = vector.broadcast %lt3A : i32 to vector<1280x1xi32>
    %lt3A_200 = arith.cmpi slt, %rem3A_195, %lt3A_199 : vector<1280x1xi32>
    %lt3A_201 = arith.constant 0 : i32
    %lt3A_202 = arith.cmpi slt, %select_n3A_193, %lt3A_201 : i32
    %ne3A_203 = vector.broadcast %lt3A_202 : i1 to vector<1280x1xi1>
    %ne3A_204 = vector.broadcast %ne3A_203 : vector<1280x1xi1> to vector<1280x1xi1>
    %ne3A_205 = arith.xori %lt3A_200, %ne3A_204 : vector<1280x1xi1>
    %and3A_206 = arith.andi %ne3A_205, %ne3A_198 : vector<1280x1xi1>
    %add3A_207 = vector.broadcast %select_n3A_193 : i32 to vector<1280x1xi32>
    %add3A_208 = arith.addi %rem3A_195, %add3A_207 : vector<1280x1xi32>
    %select_n3A_209 = arith.select %and3A_206, %add3A_208, %rem3A_195 : vector<1280x1xi1>, vector<1280x1xi32>
    %convert_element_type3A_210 = arith.sitofp %select_n3A_209 : vector<1280x1xi32> to vector<1280x1xf32>
    %ge3A = arith.cmpf oge, %convert_element_type3A_210, %dot_general3A_66 : vector<1280x1xf32>
    %jit3A_211 = arith.constant 0.000000e+00 : f32
    %broadcast_in_dim3A_212 = vector.broadcast %jit3A_211 : f32 to vector<1280x1xf32>
    %select_n3A_213 = arith.select %ge3A, %broadcast_in_dim3A_212, %max3A_187 : vector<1280x1xi1>, vector<1280x1xf32>
    %eq3A_214 = arith.constant 0 : i32
    %eq3A_215 = arith.cmpi eq, %arg0, %eq3A_214 : i32
    %convert_element_type3A_216 = arith.extui %eq3A_215 : i1 to i32
    %cond3A = arith.constant 0 : i32
    %cond3A_217 = arith.cmpi ne, %convert_element_type3A_216, %cond3A : i32
    scf.if %cond3A_217 {
      %broadcast_in_dim3A_232 = arith.constant 0.000000e+00 : f32
      %broadcast_in_dim3A_233 = vector.broadcast %broadcast_in_dim3A_232 : f32 to vector<1x1xf32>
      %swap3A_234 = arith.constant 0 : index
      %swap3A_235 = arith.constant 0 : index
      %swap3A_236 = vector.load %arg14[%swap3A_234, %swap3A_235] : memref<1x1xf32, #tpu.memory_space<vmem>>, vector<1x1xf32>
      tpu.vector_store %arg14[%swap3A_234, %swap3A_235], %broadcast_in_dim3A_233 {strides = array<i32>} : memref<1x1xf32, #tpu.memory_space<vmem>>, vector<1x1xf32>,
    } else {
    }
    %get3A_218 = arith.constant 0 : index
    %get3A_219 = arith.constant 0 : index
    %get3A_220 = vector.load %arg14[%get3A_218, %get3A_219] : memref<1x1xf32, #tpu.memory_space<vmem>>, vector<1x1xf32>
    %reduce_sum3A = vector.shape_cast %select_n3A_213 : vector<1280x1xf32> to vector<1x1280x1xf32>
    %reduce_sum3A_221 = arith.constant dense<0.000000e+00> : vector<1xf32>
    %reduce_sum3A_222 = vector.multi_reduction <add>, %reduce_sum3A, %reduce_sum3A_221 [1, 2] : vector<1x1280x1xf32> to vector<1xf32>
    %reduce_sum3A_223 = vector.shape_cast %reduce_sum3A_222 : vector<1xf32> to vector<1x1x1xf32>
    %reduce_sum3A_224 = vector.extract %reduce_sum3A_223[0, 0, 0] : f32 from vector<1x1x1xf32>
    %broadcast_in_dim3A_225 = vector.broadcast %reduce_sum3A_224 : f32 to vector<1x1xf32>
    %mul3A_226 = arith.constant 9.765625E-4 : f32
    %mul3A_227 = vector.broadcast %mul3A_226 : f32 to vector<1x1xf32>
    %mul3A_228 = arith.mulf %broadcast_in_dim3A_225, %mul3A_227 : vector<1x1xf32>
    %add3A_229 = arith.addf %get3A_220, %mul3A_228 : vector<1x1xf32>
    %swap3A = arith.constant 0 : index
    %swap3A_230 = arith.constant 0 : index
    %swap3A_231 = vector.load %arg14[%swap3A, %swap3A_230] : memref<1x1xf32, #tpu.memory_space<vmem>>, vector<1x1xf32>
    tpu.vector_store %arg14[%swap3A, %swap3A_230], %add3A_229 {strides = array<i32>} : memref<1x1xf32, #tpu.memory_space<vmem>>, vector<1x1xf32>,
    return
  }
  func.func @transform_0(%arg0: i32) -> (i32, i32) {
    %add3A = arith.constant 640 : i32
    %add3A_0 = arith.addi %add3A, %arg0 : i32
    %c0_i32 = arith.constant 0 : i32
    %c0_i32_1 = arith.constant 0 : i32
    return %add3A_0, %c0_i32 : i32, i32
  }
  func.func @transform_1(%arg0: i32) -> (i32, i32) {
    %c0_i32 = arith.constant 0 : i32
    %c0_i32_0 = arith.constant 0 : i32
    return %arg0, %c0_i32 : i32, i32
  }
  func.func @transform_2(%arg0: i32) -> (i32, i32) {
    %add3A = arith.constant 16 : i32
    %add3A_0 = arith.addi %add3A, %arg0 : i32
    %c0_i32 = arith.constant 0 : i32
    %c0_i32_1 = arith.constant 0 : i32
    return %add3A_0, %c0_i32 : i32, i32
  }
  func.func @transform_3(%arg0: i32) -> (i32, i32) {
    %c0_i32 = arith.constant 0 : i32
    %c0_i32_0 = arith.constant 0 : i32
    return %arg0, %c0_i32 : i32, i32
  }
  func.func @transform_4(%arg0: i32) -> (i32, i32) {
    %c0_i32 = arith.constant 0 : i32
    %c0_i32_0 = arith.constant 0 : i32
    return %arg0, %c0_i32 : i32, i32
  }
  func.func @transform_5(%arg0: i32) -> (i32, i32) {
    %c0_i32 = arith.constant 0 : i32
    %c0_i32_0 = arith.constant 0 : i32
    return %arg0, %c0_i32 : i32, i32
  }
  func.func @transform_6(%arg0: i32) -> (i32, i32) {
    %c0_i32 = arith.constant 0 : i32
    %c0_i32_0 = arith.constant 0 : i32
    return %arg0, %c0_i32 : i32, i32
  }
  func.func @transform_7(%arg0: i32) -> (i32, i32) {
    %c0_i32 = arith.constant 0 : i32
    %c0_i32_0 = arith.constant 0 : i32
    return %arg0, %c0_i32 : i32, i32
  }
  func.func @transform_8(%arg0: i32) -> (i32, i32) {
    %c0_i32 = arith.constant 0 : i32
    %c0_i32_0 = arith.constant 0 : i32
    return %arg0, %c0_i32 : i32, i32
  }
  func.func @transform_9(%arg0: i32) -> (i32, i32) {
    %c0_i32 = arith.constant 0 : i32
    %c0_i32_0 = arith.constant 0 : i32
    return %arg0, %c0_i32 : i32, i32
  }
  func.func @transform_10(%arg0: i32) -> (i32, i32) {
    %c0_i32 = arith.constant 0 : i32
    %c0_i32_0 = arith.constant 0 : i32
    %c0_i32_1 = arith.constant 0 : i32
    return %c0_i32, %c0_i32_0 : i32, i32
  }
  func.func @transform_11(%arg0: i32) -> (i32, i32) {
    %c0_i32 = arith.constant 0 : i32
    %c0_i32_0 = arith.constant 0 : i32
    %c0_i32_1 = arith.constant 0 : i32
    return %c0_i32, %c0_i32_0 : i32, i32
  }
  func.func @transform_12(%arg0: i32) -> (i32, i32) {
    %c0_i32 = arith.constant 0 : i32
    %c0_i32_0 = arith.constant 0 : i32
    %c0_i32_1 = arith.constant 0 : i32
    return %c0_i32, %c0_i32_0 : i32, i32
  }
  func.func @transform_13(%arg0: i32) -> (i32, i32) {
    %c0_i32 = arith.constant 0 : i32
    %c0_i32_0 = arith.constant 0 : i32
    %c0_i32_1 = arith.constant 0 : i32
    return %c0_i32, %c0_i32_0 : i32, i32
  }
}

</mosaic_0001>

<sc_bundles>
// kernel: kernel.5.cloned.1.call-start
scs
__scs_entry_jumppad:
0x0: {  	(pc) =	sbr.rel $0x88, $3  }
0x1: {  	(tag) =	ssettag $0x0;
	lr =	simm.s32 $0x1  }
0x2: {  	[smem:$0x3F92] =	sst lr;
	_ =	strace $0xD0000000  }
0x3: {  	_ = 	snop  }
0x4: {  	_ = 	snop  }
0x5: {  	_ = 	snop  }
0x6: {  	_ = 	snop  }
0x7: {  	_ = 	snop  }
__scs_overlays_trampoline_lowered:
0x8: {  	[smem:$0x3FA1] =	sst s0  }
0x9: {  	[smem:$0x3FA2] =	sst s1  }
0xa: {  	[smem:$0x3FA3] =	sst s2  }
0xb: {  	[smem:$0x3FA4] =	sst s3  }
0xc: {  	[smem:$0x3FA5] =	sst s4  }
0xd: {  	[smem:$0x3FA6] =	sst s5  }
0xe: {  	[smem:$0x3FA7] =	sst s6  }
0xf: {  	[smem:$0x3FA8] =	sst s7  }
0x10: {  	[smem:$0x3FA9] =	sst s8  }
0x11: {  	[smem:$0x3FAA] =	sst s9;
	s0 =	simm.s32 @!p0 $0x0  }
0x12: {  	s1 =	sld [smem:$0x3F90];
	s0 =	simm.s32 @p0 $0x1  }
0x13: {  	[smem:$0x3FAB] =	sst s0;
	s0 =	simm.s32 @!p1 $0x0  }
0x14: {  	s2 =	sld [smem:$0x3F8F];
	s0 =	simm.s32 @p1 $0x1  }
0x15: {  	[smem:$0x3FAC] =	sst s0;
	s0 =	simm.s32 @!p2 $0x0  }
0x16: {  	s3 =	sld [smem:$0x3FDB];
	s0 =	simm.s32 @p2 $0x1  }
0x17: {  	s4 =	simm.s32 $0x1BF5;
	[smem:$0x3FAE] =	sst s0  }
0x18: {  	s0 =	sld [smem:$0x3F91];
	_ =	swait.ge [sflag:s4], $0x0  }
0x19: {  	s7 =	sld [smem:$0x3F92]  }
0x1a: {  	s8 =	sadd.s32 $0xFFFFE003, lr  }
0x1b: {  	s9 =	sadd.s32 $0xFFFFFEF7, lr;
	s5 =	simm.s32 $0xFFFFFFFF;
	p2 =	slt.u32 s8, $0xFFFFF086  }
0x1c: {  	p1 =	slt.u32 s9, $0xF7A;
	s5 =	simm.s32 @!p2 $0x0  }
0x1d: {  	s5 =	simm.s32 @p1 $0x1;
	p0 =	seq.s32 s7, s2  }
0x1e: {  	s7 =	smul.u32 @!p0 $0xF7A, s2;
	p2 =	seq.s32 @!p0 s5, $0x0  }
0x1f: {  	s9 =	smul.u32 $0xF7A, s1;
	s8 =	simm.s32 @!p0 $0x1BF5;
	p2 =	por !p2, p0  }
0x20: {  	[sflag:s8] =	ssyncset.s32 @!p0 $0xFFFFF086;
	s6 =	sadd.s32 @!p0 s3, s7;
	s7 =	simm.s32 @!p0 $0x108  }
0x21: {  	s3 =	sadd.s32 s3, s9;
	s6 =	sadd.s32 @!p0 $0x88, s6;
	s7 =	simm.s32 @p2 $0x1082  }
0x22: {  	[simem:s7], [sflag:s8] =	dma.local @!p0 [hbm:s6], $0xF7A  }
0x23: {  	s9 =	sor.u32 $0xD0000000, s2;
	s6 =	simm.s32 $0x108;
	_ =	swait.ge @!p0 [sflag:s8], $0x0  }
0x24: {  	s3 =	sadd.s32 $0x88, s3;
	s6 =	simm.s32 @!p1 $0x1082;
	[sflag:s4] =	ssyncset.s32 $0xFFFFF086  }
0x25: {  	[simem:s6], [sflag:s4] =	dma.local [hbm:s3], $0xF7A  }
0x26: {  	[smem:$0x3F92] =	sst s1;
	(tag) =	ssettag s2;
	_ =	strace s9  }
0x27: {  	s1 =	sld [smem:$0x3FA2]  }
0x28: {  	s2 =	sld [smem:$0x3FA3]  }
0x29: {  	s4 =	sld [smem:$0x3FA5]  }
0x2a: {  	p0 =	seq.s32 s5, $0x0;
	s5 =	sld [smem:$0x3FA6]  }
0x2b: {  	s6 =	sld [smem:$0x3FA7]  }
0x2c: {  	s7 =	sld [smem:$0x3FA8]  }
0x2d: {  	s3 =	simm.s32 $0x108;
	s8 =	sld [smem:$0x3FA9]  }
0x2e: {  	s3 =	simm.s32 @!p0 $0x1082;
	s9 =	sld [smem:$0x3FAA]  }
0x2f: {  	lr =	sadd.s32 s0, s3;
	s0 =	sld [smem:$0x3FA1]  }
0x30: {  	s3 =	sld [smem:$0x3FA4]  }
0x31: {  	[smem:$0x3FAD] =	sst s10  }
0x32: {  	s10 =	sld [smem:$0x3FAB];
	_ =	sdelay $0x3  }
0x33: {  	p0 =	seq.s32 s10, $0x1;
	s10 =	sld [smem:$0x3FAD];
	_ =	sdelay $0x3  }
0x34: {  	[smem:$0x3FAD] =	sst s10  }
0x35: {  	s10 =	sld [smem:$0x3FAC];
	_ =	sdelay $0x3  }
0x36: {  	p1 =	seq.s32 s10, $0x1;
	s10 =	sld [smem:$0x3FAD];
	_ =	sdelay $0x3  }
0x37: {  	[smem:$0x3FAD] =	sst s10  }
0x38: {  	s10 =	sld [smem:$0x3FAE]  }
0x39: {  	_ = 	snop;
	(pc) =	sbr.ind lr, $3  }
0x3a: {  	_ = 	snop  }
0x3b: {  	_ = 	snop  }
0x3c: {  	p2 =	seq.s32 s10, $0x1;
	s10 =	sld [smem:$0x3FAD]  }
0x3d: {  	_ =	shalt  }
0x3e: {  	_ =	shalt  }
0x3f: {  	_ =	shalt  }
0x40: {  	_ =	shalt  }
0x41: {  	_ =	shalt  }
0x42: {  	_ =	shalt  }
0x43: {  	_ =	shalt  }
0x44: {  	_ =	shalt  }
0x45: {  	_ =	shalt  }
0x46: {  	_ =	shalt  }
0x47: {  	_ =	shalt  }
0x48: {  	_ =	shalt  }
0x49: {  	_ =	shalt  }
0x4a: {  	_ =	shalt  }
0x4b: {  	_ =	shalt  }
0x4c: {  	_ =	shalt  }
0x4d: {  	_ =	shalt  }
0x4e: {  	_ =	shalt  }
0x4f: {  	_ =	shalt  }
0x50: {  	_ =	shalt  }
0x51: {  	_ =	shalt  }
0x52: {  	_ =	shalt  }
0x53: {  	_ =	shalt  }
0x54: {  	_ =	shalt  }
0x55: {  	_ =	shalt  }
0x56: {  	_ =	shalt  }
0x57: {  	_ =	shalt  }
0x58: {  	_ =	shalt  }
0x59: {  	_ =	shalt  }
0x5a: {  	_ =	shalt  }
0x5b: {  	_ =	shalt  }
0x5c: {  	_ =	shalt  }
0x5d: {  	_ =	shalt  }
0x5e: {  	_ =	shalt  }
0x5f: {  	_ =	shalt  }
0x60: {  	_ =	shalt  }
0x61: {  	_ =	shalt  }
0x62: {  	_ =	shalt  }
0x63: {  	_ =	shalt  }
0x64: {  	_ =	shalt  }
0x65: {  	_ =	shalt  }
0x66: {  	_ =	shalt  }
0x67: {  	_ =	shalt  }
0x68: {  	_ =	shalt  }
0x69: {  	_ =	shalt  }
0x6a: {  	_ =	shalt  }
0x6b: {  	_ =	shalt  }
0x6c: {  	_ =	shalt  }
0x6d: {  	_ =	shalt  }
0x6e: {  	_ =	shalt  }
0x6f: {  	_ =	shalt  }
0x70: {  	_ =	shalt  }
0x71: {  	_ =	shalt  }
0x72: {  	_ =	shalt  }
0x73: {  	_ =	shalt  }
0x74: {  	_ =	shalt  }
0x75: {  	_ =	shalt  }
0x76: {  	_ =	shalt  }
0x77: {  	_ =	shalt  }
0x78: {  	_ =	shalt  }
0x79: {  	_ =	shalt  }
0x7a: {  	_ =	shalt  }
0x7b: {  	_ =	shalt  }
0x7c: {  	_ =	shalt  }
0x7d: {  	_ =	shalt  }
0x7e: {  	_ =	shalt  }
0x7f: {  	_ =	shalt  }
0x80: {  	_ =	shalt  }
0x81: {  	_ =	shalt  }
0x82: {  	_ =	shalt  }
0x83: {  	_ =	shalt  }
0x84: {  	_ =	shalt  }
0x85: {  	_ =	shalt  }
0x86: {  	_ =	shalt  }
0x87: {  	_ =	shalt  }
.Lfunc_end0:
.L_simem_size_0:
called_computation_lowered:
.L_overlay_start_0:
0x88: {  	s2 =	sld [smem:$0x3FD9]  }
0x89: {  	s3 =	sld [smem:$0x3FFE];
	_ =	sdelay $0x1  }
0x8a: {  	s1 =	srdreg.scid  }
0x8b: {  	s0 =	sand.u32 $0x1, s1  }
0x8c: {  	s17 =	sshll.u32 s0, $0xA;
	s2 =	sadd.s32 s3, s2  }
0x8d: {  	s2 =	sadd.s32 s2, s17  }
0x8e: {  	[smem:$0x3FB9] =	sst s2  }
0x8f: {  	_ = 	snop  }
0x90: {  	s2 =	sld [smem:$0x3FC0];
	(tm) =	ssettm $0x1  }
0x91: {  	s18 =	sld [smem:$0x3FFB];
	_ =	sdelay $0x3  }
0x92: {  	_ =	strace s18  }
0x93: {  	s3 =	sld [smem:$0x3FFC];
	_ =	sdelay $0x3  }
0x94: {  	_ =	strace s3  }
0x95: {  	s3 =	sld [smem:$0x3FFD];
	_ =	sdelay $0x3  }
0x96: {  	_ =	strace s3  }
0x97: {  	_ =	strace $0x8FFFFFFF  }
0x98: {  	s19 =	sld [smem:$0x3FDB];
	_ =	sdelay $0x1  }
0x99: {  	s4 =	simm.s32 $_scs_section_size  }
0x9a: {  	s5 =	simm.s32 $_size__tile_overlayer_lowered;
	s6 =	simm.s32 $_tile_overlayer_lowered  }
0x9b: {  	s22 =	simm.s32 $0x1BFF;
	s21 =	sshll.u32 s6, $0x1;
	s3 =	sadd.s32 s4, s19  }
0x9c: {  	s7 =	simm.s32 $0x0;
	s20 =	sshll.u32 s5, $0x1;
	s5 =	sadd.s32 s21, s3  }
0x9d: {  	[timem:s7], [sflag:s22] =	dma.local [hbm:s5], s20  }
0x9e: {  	_ =	swait.ge [sflag:s22], s20  }
0x9f: {  	s4 =	ssub.s32 $0x0, s20;
	[sflag:s22] =	ssyncset.done $0x0  }
0xa0: {  	[sflag:s22] =	ssyncadd.s32 s4;
	_ =	sdelay $0x1  }
0xa1: {  	s23 =	simm.s32 $0x1B8B  }
0xa2: {  	_ =	swait.ge [sflag:s23], $0x1  }
0xa3: {  	[sflag:s23] =	ssyncset.done $0x0  }
0xa4: {  	s25 =	simm.s32 $0x1B8E;
	s24 =	sld [smem:$0x3FFE];
	[sflag:s23] =	ssyncadd.s32 $0xFFFFFFFF  }
0xa5: {  	s26 =	simm.s32 $execute0_lowered;
	[smem:$0x3FD2] =	sst s25  }
0xa6: {  	s5 =	sshll.u32 s26, $0x1;
	_ =	strace $0x80000046;
	[dreg:$0x1] =	wrdreg $0xFFFFFFFF  }
0xa7: {  	s28 =	simm.s32 $_size_execute0_lowered;
	s3 =	sadd.s32 s3, s5;
	[dreg:$0x0] =	wrdreg $0x0  }
0xa8: {  	s5 =	sshll.u32 s28, $0x1;
	[dreg:$0x2] =	wrdreg s3  }
0xa9: {  	[dreg:$0x3] =	wrdreg s5  }
0xaa: {  	[dreg:$0x4] =	wrdreg $0xC0  }
0xab: {  	_ =	task [dreg:s7], $0x5FFFF  }
0xac: {  	[dreg:$0x1] =	wrdreg $0xFFFFFFFF  }
0xad: {  	[dreg:$0x0] =	wrdreg $0x60  }
0xae: {  	[dreg:$0x2] =	wrdreg s2  }
0xaf: {  	[dreg:$0x3] =	wrdreg s24  }
0xb0: {  	[dreg:$0x4] =	wrdreg $0x9  }
0xb1: {  	_ =	task.clear_ibuf [dreg:s7], $0x5FFFF;
	_ =	strace $0x90000046  }
0xb2: {  	s29 =	simm.s32 $0x9;
	_ =	strace $0x80000048  }
0xb3: {  	_ =	swait.ge [sflag:s29], $0x1  }
0xb4: {  	[sflag:s29] =	ssyncadd.s32 $0xFFFFFFFF  }
0xb5: {  	_ =	strace $0x90000048  }
0xb6: {  	_ =	sfence  }
0xb7: {  	s30 =	sld [smem:$0x0];
	_ =	sdelay $0x2  }
0xb8: {  	s31 =	sshll.u32 s1, $0xD;
	s1 =	sshrl.u32 s1, $0x2  }
0xb9: {  	s3 =	sand.u32 $0x4000, s31;
	s1 =	sadd.s32 s1, s30  }
0xba: {  	s0 =	sor.u32 s3, s0;
	s1 =	sshll.u32 s1, $0x11  }
0xbb: {  	s0 =	sor.u32 s1, s0  }
0xbc: {  	s0 =	sadd.s32 $0x8F2B, s0  }
0xbd: {  	[sflag:s0] =	ssyncadd.remote.s32 $0x1  }
0xbe: {  	_ =	sfence.sel $0xFFFF  }
0xbf: {  	[dreg:$0x0] =	wrdreg $0xFFFFFFFF;
	(pc) =	sbr.abs _section_cstart, $3  }
0xc0: {  	[dreg:$0x1] =	wrdreg $0xFFFFFFFF  }
0xc1: {  	_ =	task.clear_ibuf [dreg:s7], $0x2FFFF;
	_ =	strace $0x9FFFFFFF  }
0xc2: {  	(tm) =	ssettm $0x7FFFFFFF  }
0xc3: {  	_ =	shalt  }
tec
execute0_lowered:
.L_overlay_start_1:
0x0: {  	(tag) =	ssettag $0x1  }
0x1: {  	s0 =	srdreg.scid;
	s3 =	rddreg [dreg:$0x0]  }
0x2: {  	s1 =	stileid.u32;
	s4 =	rddreg [dreg:$0x1];
	s2 =	simm.s32 $0x0  }
0x3: {  	s31 =	simm.s32 $0xD;
	s13 =	simm.s32 $0x80;
	s12 =	simm.s32 $0x4580  }
0x4: {  	s25 =	simm.s32 $0x100;
	s11 =	simm.s32 $0x8580;
	s26 =	simm.s32 $0x180  }
0x5: {  	s9 =	simm.s32 $0xC580;
	s7 =	simm.s32 $0x10580;
	s30 =	simm.s32 $0x280  }
0x6: {  	s29 =	simm.s32 $0x300;
	s28 =	simm.s32 $0x380;
	p0 =	por $0x0, $0x0  }
0x7: {  	s10 =	simm.s32 $0xA;
	s0 =	sand.u32 $0x1, s0;
	s1 =	sshll.u32 s1, $0x1  }
0x8: {  	s8 =	simm.s32 $0xB;
	[smem:$0x7FF] =	sst s2;
	s1 =	sor.u32 s0, s1  }
0x9: {  	_ =	strace $0x80000047;
	[dreg:$0xf] =	wrdreg s25;
	s5 =	smul.u32 $0xB0, s1  }
0xa: {  	s0 =	ssub.s32 $0x2, s0;
	[dreg:$0x10] =	wrdreg s26;
	s6 =	smul.u32 $0x2C000, s1  }
0xb: {  	s26 =	simm.s32 $0x400;
	s1 =	smul.u32 $0x5800, s1;
	s5 =	sadd.s32 s5, s4  }
0xc: {  	s4 =	sadd.s32 $0x3600, s4;
	s6 =	sshrl.u32 s6, $0x3;
	s5 =	sadd.s32 $0x2000, s5  }
0xd: {  	s1 =	sadd.s32 s4, s1;
	s4 =	sadd.s32 s4, s6;
	[dreg:$0x3] =	wrdreg s5  }
0xe: {  	s25 =	simm.s32 $0x6;
	[dreg:$0x4] =	wrdreg s1;
	s14 =	sadd.s32 $0x800, s4  }
0xf: {  	s23 =	sshrl.u32 s0, $0x1;
	s15 =	sadd.s32 $0x1000, s4;
	[dreg:$0x5] =	wrdreg s14  }
0x10: {  	s0 =	ssub.s32 s0, s23;
	s16 =	sadd.s32 $0x1800, s4;
	[dreg:$0x6] =	wrdreg s15  }
0x11: {  	s23 =	simm.s32 $0x500;
	s17 =	sadd.s32 $0x2000, s4;
	[dreg:$0x7] =	wrdreg s16  }
0x12: {  	s0 =	smax.u32 s0, $0x1;
	s18 =	sadd.s32 $0x2800, s4;
	[dreg:$0x8] =	wrdreg s17  }
0x13: {  	s6 =	simm.s32 $0x9;
	s19 =	sadd.s32 $0x3000, s4;
	[dreg:$0x9] =	wrdreg s18  }
0x14: {  	p1 =	sne.s32 s0, $0x1;
	s20 =	sadd.s32 $0x3800, s4;
	[dreg:$0xa] =	wrdreg s19  }
0x15: {  	s21 =	sadd.s32 $0x4000, s4;
	s22 =	sadd.s32 $0x4800, s4;
	[dreg:$0xb] =	wrdreg s20  }
0x16: {  	s24 =	sadd.s32 $0x5000, s4;
	s4 =	simm.s32 $0x7;
	[dreg:$0xc] =	wrdreg s21  }
.Ltmp0:
0x17: {  	s5 =	simm.s32 $0x8;
	[dreg:$0xd] =	wrdreg s22;
	(pc) =	sbr.rel @!p1 .LBB2_1-.Ltmp0, $4  }
0x18: {  	[dreg:$0xe] =	wrdreg s24;
	s16 =	simm.s32 $0x580;
	s20 =	simm.s32 $0x1  }
0x19: {  	s18 =	simm.s32 $0x2;
	s21 =	simm.s32 $0x14580;
	s17 =	simm.s32 $0x3  }
0x1a: {  	s15 =	simm.s32 $0x4;
	s14 =	simm.s32 $0x5;
	s22 =	sadd.s32 $0xFFFFFFFF, s0  }
0x1b: {  	s24 =	simm.s32 $0x480;
	s19 =	simm.s32 $0xC;
	s0 =	rddreg [dreg:$0x3]  }
0x1c: {  	[tilespmem:s2], [sflag:$0xD] =	stream.linear.gather [hbm4b:s0+s2], $0x580, $0x38;
	[tilespmem:$0x18580] =	vst v63  }
0x1d: {  	_ =	swait.ge [sflag:s31], $0x580  }
0x1e: {  	[sflag:s31] =	ssyncset.done $0x0  }
0x1f: {  	[sflag:s31] =	ssyncadd.s32 $0xFFFFFA80  }
0x20: {  	[tilespmem:s16], [sflag:$0x1] =	stream.indirect.gather [hbm4b:s3+s13], $0x80, s2, s13, $0xb8;
	[tilespmem:$0x18580] =	vst v63  }
0x21: {  	_ = 	snop  }
0x22: {  	[tilespmem:s12], [sflag:$0x2] =	stream.indirect.gather [hbm4b:s3+s13], $0x80, s13, s13, $0xb8;
	[tilespmem:$0x18580] =	vst v63  }
0x23: {  	s0 =	rddreg [dreg:$0xf]  }
0x24: {  	[tilespmem:s11], [sflag:$0x3] =	stream.indirect.gather [hbm4b:s3+s13], $0x80, s0, s13, $0xb8;
	[tilespmem:$0x18580] =	vst v63  }
0x25: {  	s1 =	rddreg [dreg:$0x10]  }
0x26: {  	[tilespmem:s9], [sflag:$0x4] =	stream.indirect.gather [hbm4b:s3+s13], $0x80, s1, s13, $0xb8;
	[tilespmem:$0x18580] =	vst v63  }
0x27: {  	_ =	swait.ge [sflag:s20], $0x4000  }
0x28: {  	[sflag:s20] =	ssyncset.done $0x0  }
0x29: {  	s1 =	rddreg [dreg:$0x4];
	[sflag:s20] =	ssyncadd.s32 $0xFFFFC000  }
0x2a: {  	[hbm4b:s1+s2] =	stream.linear.scatter [tilespmem:s16], [sflag:$0x7], $0x4000, $0x38;
	[tilespmem:$0x18580] =	vst v63  }
0x2b: {  	s1 =	simm.s32 $0x200  }
0x2c: {  	[tilespmem:s7], [sflag:$0x5] =	stream.indirect.gather [hbm4b:s3+s13], $0x80, s1, s13, $0xb8;
	[tilespmem:$0x18580] =	vst v63  }
0x2d: {  	_ =	swait.ge [sflag:s18], $0x4000  }
0x2e: {  	[sflag:s18] =	ssyncset.done $0x0  }
0x2f: {  	s1 =	rddreg [dreg:$0x5];
	[sflag:s18] =	ssyncadd.s32 $0xFFFFC000  }
0x30: {  	[hbm4b:s1+s2] =	stream.linear.scatter [tilespmem:s12], [sflag:$0x8], $0x4000, $0x38;
	[tilespmem:$0x18580] =	vst v63  }
0x31: {  	_ = 	snop  }
0x32: {  	[tilespmem:s21], [sflag:$0x6] =	stream.indirect.gather [hbm4b:s3+s13], $0x80, s30, s13, $0xb8;
	[tilespmem:$0x18580] =	vst v63  }
0x33: {  	_ =	swait.ge [sflag:s17], $0x4000  }
0x34: {  	[sflag:s17] =	ssyncset.done $0x0  }
0x35: {  	s1 =	rddreg [dreg:$0x6];
	[sflag:s17] =	ssyncadd.s32 $0xFFFFC000  }
0x36: {  	[hbm4b:s1+s2] =	stream.linear.scatter [tilespmem:s11], [sflag:$0x9], $0x4000, $0x38;
	[tilespmem:$0x18580] =	vst v63  }
0x37: {  	_ =	swait.ge [sflag:s4], $0x4000  }
0x38: {  	[sflag:s4] =	ssyncset.done $0x0  }
0x39: {  	[sflag:s4] =	ssyncadd.s32 $0xFFFFC000  }
0x3a: {  	[tilespmem:s16], [sflag:$0x1] =	stream.indirect.gather [hbm4b:s3+s13], $0x80, s29, s13, $0xb8;
	[tilespmem:$0x18580] =	vst v63  }
0x3b: {  	_ =	swait.ge [sflag:s15], $0x4000  }
0x3c: {  	[sflag:s15] =	ssyncset.done $0x0  }
0x3d: {  	s1 =	rddreg [dreg:$0x7];
	[sflag:s15] =	ssyncadd.s32 $0xFFFFC000  }
0x3e: {  	[hbm4b:s1+s2] =	stream.linear.scatter [tilespmem:s9], [sflag:$0xA], $0x4000, $0x38;
	[tilespmem:$0x18580] =	vst v63  }
0x3f: {  	_ =	swait.ge [sflag:s5], $0x4000  }
0x40: {  	[sflag:s5] =	ssyncset.done $0x0  }
0x41: {  	[sflag:s5] =	ssyncadd.s32 $0xFFFFC000  }
0x42: {  	[tilespmem:s12], [sflag:$0x2] =	stream.indirect.gather [hbm4b:s3+s13], $0x80, s28, s13, $0xb8;
	[tilespmem:$0x18580] =	vst v63  }
0x43: {  	_ =	swait.ge [sflag:s14], $0x4000  }
0x44: {  	[sflag:s14] =	ssyncset.done $0x0  }
0x45: {  	s1 =	rddreg [dreg:$0x8];
	[sflag:s14] =	ssyncadd.s32 $0xFFFFC000  }
0x46: {  	[hbm4b:s1+s2] =	stream.linear.scatter [tilespmem:s7], [sflag:$0xB], $0x4000, $0x38;
	[tilespmem:$0x18580] =	vst v63  }
0x47: {  	_ =	swait.ge [sflag:s6], $0x4000  }
0x48: {  	[sflag:s6] =	ssyncset.done $0x0  }
0x49: {  	[sflag:s6] =	ssyncadd.s32 $0xFFFFC000  }
0x4a: {  	[tilespmem:s11], [sflag:$0x3] =	stream.indirect.gather [hbm4b:s3+s13], $0x80, s26, s13, $0xb8;
	[tilespmem:$0x18580] =	vst v63  }
0x4b: {  	_ =	swait.ge [sflag:s25], $0x4000  }
0x4c: {  	[sflag:s25] =	ssyncset.done $0x0  }
0x4d: {  	s1 =	rddreg [dreg:$0x9];
	[sflag:s25] =	ssyncadd.s32 $0xFFFFC000  }
0x4e: {  	[hbm4b:s1+s2] =	stream.linear.scatter [tilespmem:s21], [sflag:$0xC], $0x4000, $0x38;
	[tilespmem:$0x18580] =	vst v63  }
0x4f: {  	_ =	swait.ge [sflag:s10], $0x4000  }
0x50: {  	[sflag:s10] =	ssyncset.done $0x0  }
0x51: {  	[sflag:s10] =	ssyncadd.s32 $0xFFFFC000  }
0x52: {  	[tilespmem:s9], [sflag:$0x4] =	stream.indirect.gather [hbm4b:s3+s13], $0x80, s24, s13, $0xb8;
	[tilespmem:$0x18580] =	vst v63  }
0x53: {  	_ =	swait.ge [sflag:s20], $0x4000  }
0x54: {  	[sflag:s20] =	ssyncset.done $0x0  }
0x55: {  	s1 =	rddreg [dreg:$0xa];
	[sflag:s20] =	ssyncadd.s32 $0xFFFFC000  }
0x56: {  	[hbm4b:s1+s2] =	stream.linear.scatter [tilespmem:s16], [sflag:$0x7], $0x4000, $0x38;
	[tilespmem:$0x18580] =	vst v63  }
0x57: {  	_ =	swait.ge [sflag:s8], $0x4000  }
0x58: {  	[sflag:s8] =	ssyncset.done $0x0  }
0x59: {  	[sflag:s8] =	ssyncadd.s32 $0xFFFFC000  }
0x5a: {  	[tilespmem:s7], [sflag:$0x5] =	stream.indirect.gather [hbm4b:s3+s13], $0x80, s23, s13, $0xb8;
	[tilespmem:$0x18580] =	vst v63  }
0x5b: {  	_ =	swait.ge [sflag:s18], $0x4000  }
0x5c: {  	[sflag:s18] =	ssyncset.done $0x0  }
0x5d: {  	s1 =	rddreg [dreg:$0xb];
	[sflag:s18] =	ssyncadd.s32 $0xFFFFC000  }
0x5e: {  	[hbm4b:s1+s2] =	stream.linear.scatter [tilespmem:s12], [sflag:$0x8], $0x4000, $0x38;
	[tilespmem:$0x18580] =	vst v63  }
0x5f: {  	_ =	swait.ge [sflag:s17], $0x4000  }
0x60: {  	[sflag:s17] =	ssyncset.done $0x0  }
0x61: {  	s1 =	rddreg [dreg:$0xc];
	[sflag:s17] =	ssyncadd.s32 $0xFFFFC000  }
0x62: {  	[hbm4b:s1+s2] =	stream.linear.scatter [tilespmem:s11], [sflag:$0x9], $0x4000, $0x38;
	[tilespmem:$0x18580] =	vst v63  }
0x63: {  	_ =	swait.ge [sflag:s15], $0x4000  }
0x64: {  	[sflag:s15] =	ssyncset.done $0x0  }
0x65: {  	s1 =	rddreg [dreg:$0xd];
	[sflag:s15] =	ssyncadd.s32 $0xFFFFC000  }
0x66: {  	[hbm4b:s1+s2] =	stream.linear.scatter [tilespmem:s9], [sflag:$0xA], $0x4000, $0x38;
	[tilespmem:$0x18580] =	vst v63  }
0x67: {  	_ =	swait.ge [sflag:s14], $0x4000  }
0x68: {  	[sflag:s14] =	ssyncset.done $0x0  }
0x69: {  	s1 =	rddreg [dreg:$0xe];
	[sflag:s14] =	ssyncadd.s32 $0xFFFFC000  }
0x6a: {  	[hbm4b:s1+s2] =	stream.linear.scatter [tilespmem:s7], [sflag:$0xB], $0x4000, $0x38;
	[tilespmem:$0x18580] =	vst v63  }
0x6b: {  	_ =	swait.ge [sflag:s19], $0x4000  }
0x6c: {  	[sflag:s19] =	ssyncset.done $0x0  }
0x6d: {  	[sflag:s19] =	ssyncadd.s32 $0xFFFFC000  }
0x6e: {  	_ =	swait.ge [sflag:s4], $0x4000  }
0x6f: {  	[sflag:s4] =	ssyncset.done $0x0  }
0x70: {  	[sflag:s4] =	ssyncadd.s32 $0xFFFFC000  }
0x71: {  	_ =	swait.ge [sflag:s5], $0x4000  }
0x72: {  	[sflag:s5] =	ssyncset.done $0x0  }
0x73: {  	[sflag:s5] =	ssyncadd.s32 $0xFFFFC000  }
0x74: {  	_ =	swait.ge [sflag:s6], $0x4000  }
0x75: {  	[sflag:s6] =	ssyncset.done $0x0  }
0x76: {  	p1 =	sne.s32 s22, $0x1;
	[sflag:s6] =	ssyncadd.s32 $0xFFFFC000  }
.Ltmp1:
0x77: {  	_ =	swait.ge [sflag:s10], $0x4000;
	(pc) =	sbr.rel @!p1 .LBB2_3-.Ltmp1, $4  }
0x78: {  	[sflag:s10] =	ssyncset.done $0x0  }
0x79: {  	[sflag:s10] =	ssyncadd.s32 $0xFFFFC000  }
0x7a: {  	p0 =	por $0x1, $0x1;
	_ =	swait.ge [sflag:s8], $0x4000  }
0x7b: {  	s1 =	sadd.s32 $0xFFFFFFFF, s22;
	s0 =	rddreg [dreg:$0x3];
	[sflag:s8] =	ssyncset.done $0x0  }
.LBB2_4:
0x7c: {  	[sflag:s8] =	ssyncadd.s32 $0xFFFFC000  }
0x7d: {  	[tilespmem:s2], [sflag:$0xD] =	stream.linear.gather [hbm4b:s0+s2], $0x580, $0x38;
	[tilespmem:$0x18580] =	vst v63  }
0x7e: {  	_ =	swait.ge [sflag:s31], $0x580  }
0x7f: {  	[sflag:s31] =	ssyncset.done $0x0  }
0x80: {  	[sflag:s31] =	ssyncadd.s32 $0xFFFFFA80  }
0x81: {  	[tilespmem:s16], [sflag:$0x1] =	stream.indirect.gather [hbm4b:s3+s13], $0x80, s2, s13, $0xb8;
	[tilespmem:$0x18580] =	vst v63  }
0x82: {  	_ = 	snop  }
0x83: {  	[tilespmem:s12], [sflag:$0x2] =	stream.indirect.gather [hbm4b:s3+s13], $0x80, s13, s13, $0xb8;
	[tilespmem:$0x18580] =	vst v63  }
0x84: {  	s0 =	rddreg [dreg:$0xf]  }
0x85: {  	[tilespmem:s11], [sflag:$0x3] =	stream.indirect.gather [hbm4b:s3+s13], $0x80, s0, s13, $0xb8;
	[tilespmem:$0x18580] =	vst v63  }
0x86: {  	s22 =	rddreg [dreg:$0x10]  }
0x87: {  	[tilespmem:s9], [sflag:$0x4] =	stream.indirect.gather [hbm4b:s3+s13], $0x80, s22, s13, $0xb8;
	[tilespmem:$0x18580] =	vst v63  }
0x88: {  	_ =	swait.ge [sflag:s20], $0x4000  }
0x89: {  	[sflag:s20] =	ssyncset.done $0x0  }
0x8a: {  	s22 =	rddreg [dreg:$0x4];
	[sflag:s20] =	ssyncadd.s32 $0xFFFFC000  }
0x8b: {  	[hbm4b:s22+s2] =	stream.linear.scatter [tilespmem:s16], [sflag:$0x7], $0x4000, $0x38;
	[tilespmem:$0x18580] =	vst v63  }
0x8c: {  	s22 =	simm.s32 $0x200  }
0x8d: {  	[tilespmem:s7], [sflag:$0x5] =	stream.indirect.gather [hbm4b:s3+s13], $0x80, s22, s13, $0xb8;
	[tilespmem:$0x18580] =	vst v63  }
0x8e: {  	_ =	swait.ge [sflag:s18], $0x4000  }
0x8f: {  	[sflag:s18] =	ssyncset.done $0x0  }
0x90: {  	s22 =	rddreg [dreg:$0x5];
	[sflag:s18] =	ssyncadd.s32 $0xFFFFC000  }
0x91: {  	[hbm4b:s22+s2] =	stream.linear.scatter [tilespmem:s12], [sflag:$0x8], $0x4000, $0x38;
	[tilespmem:$0x18580] =	vst v63  }
0x92: {  	_ = 	snop  }
0x93: {  	[tilespmem:s21], [sflag:$0x6] =	stream.indirect.gather [hbm4b:s3+s13], $0x80, s30, s13, $0xb8;
	[tilespmem:$0x18580] =	vst v63  }
0x94: {  	_ =	swait.ge [sflag:s17], $0x4000  }
0x95: {  	[sflag:s17] =	ssyncset.done $0x0  }
0x96: {  	s22 =	rddreg [dreg:$0x6];
	[sflag:s17] =	ssyncadd.s32 $0xFFFFC000  }
0x97: {  	[hbm4b:s22+s2] =	stream.linear.scatter [tilespmem:s11], [sflag:$0x9], $0x4000, $0x38;
	[tilespmem:$0x18580] =	vst v63  }
0x98: {  	_ =	swait.ge [sflag:s4], $0x4000  }
0x99: {  	[sflag:s4] =	ssyncset.done $0x0  }
0x9a: {  	[sflag:s4] =	ssyncadd.s32 $0xFFFFC000  }
0x9b: {  	[tilespmem:s16], [sflag:$0x1] =	stream.indirect.gather [hbm4b:s3+s13], $0x80, s29, s13, $0xb8;
	[tilespmem:$0x18580] =	vst v63  }
0x9c: {  	_ =	swait.ge [sflag:s15], $0x4000  }
0x9d: {  	[sflag:s15] =	ssyncset.done $0x0  }
0x9e: {  	s22 =	rddreg [dreg:$0x7];
	[sflag:s15] =	ssyncadd.s32 $0xFFFFC000  }
0x9f: {  	[hbm4b:s22+s2] =	stream.linear.scatter [tilespmem:s9], [sflag:$0xA], $0x4000, $0x38;
	[tilespmem:$0x18580] =	vst v63  }
0xa0: {  	_ =	swait.ge [sflag:s5], $0x4000  }
0xa1: {  	[sflag:s5] =	ssyncset.done $0x0  }
0xa2: {  	[sflag:s5] =	ssyncadd.s32 $0xFFFFC000  }
0xa3: {  	[tilespmem:s12], [sflag:$0x2] =	stream.indirect.gather [hbm4b:s3+s13], $0x80, s28, s13, $0xb8;
	[tilespmem:$0x18580] =	vst v63  }
0xa4: {  	_ =	swait.ge [sflag:s14], $0x4000  }
0xa5: {  	[sflag:s14] =	ssyncset.done $0x0  }
0xa6: {  	s22 =	rddreg [dreg:$0x8];
	[sflag:s14] =	ssyncadd.s32 $0xFFFFC000  }
0xa7: {  	[hbm4b:s22+s2] =	stream.linear.scatter [tilespmem:s7], [sflag:$0xB], $0x4000, $0x38;
	[tilespmem:$0x18580] =	vst v63  }
0xa8: {  	_ =	swait.ge [sflag:s6], $0x4000  }
0xa9: {  	[sflag:s6] =	ssyncset.done $0x0  }
0xaa: {  	[sflag:s6] =	ssyncadd.s32 $0xFFFFC000  }
0xab: {  	[tilespmem:s11], [sflag:$0x3] =	stream.indirect.gather [hbm4b:s3+s13], $0x80, s26, s13, $0xb8;
	[tilespmem:$0x18580] =	vst v63  }
0xac: {  	_ =	swait.ge [sflag:s25], $0x4000  }
0xad: {  	[sflag:s25] =	ssyncset.done $0x0  }
0xae: {  	s22 =	rddreg [dreg:$0x9];
	[sflag:s25] =	ssyncadd.s32 $0xFFFFC000  }
0xaf: {  	[hbm4b:s22+s2] =	stream.linear.scatter [tilespmem:s21], [sflag:$0xC], $0x4000, $0x38;
	[tilespmem:$0x18580] =	vst v63  }
0xb0: {  	_ =	swait.ge [sflag:s10], $0x4000  }
0xb1: {  	[sflag:s10] =	ssyncset.done $0x0  }
0xb2: {  	[sflag:s10] =	ssyncadd.s32 $0xFFFFC000  }
0xb3: {  	[tilespmem:s9], [sflag:$0x4] =	stream.indirect.gather [hbm4b:s3+s13], $0x80, s24, s13, $0xb8;
	[tilespmem:$0x18580] =	vst v63  }
0xb4: {  	_ =	swait.ge [sflag:s20], $0x4000  }
0xb5: {  	[sflag:s20] =	ssyncset.done $0x0  }
0xb6: {  	s22 =	rddreg [dreg:$0xa];
	[sflag:s20] =	ssyncadd.s32 $0xFFFFC000  }
0xb7: {  	[hbm4b:s22+s2] =	stream.linear.scatter [tilespmem:s16], [sflag:$0x7], $0x4000, $0x38;
	[tilespmem:$0x18580] =	vst v63  }
0xb8: {  	_ =	swait.ge [sflag:s8], $0x4000  }
0xb9: {  	[sflag:s8] =	ssyncset.done $0x0  }
0xba: {  	[sflag:s8] =	ssyncadd.s32 $0xFFFFC000  }
0xbb: {  	[tilespmem:s7], [sflag:$0x5] =	stream.indirect.gather [hbm4b:s3+s13], $0x80, s23, s13, $0xb8;
	[tilespmem:$0x18580] =	vst v63  }
0xbc: {  	_ =	swait.ge [sflag:s18], $0x4000  }
0xbd: {  	[sflag:s18] =	ssyncset.done $0x0  }
0xbe: {  	s22 =	rddreg [dreg:$0xb];
	[sflag:s18] =	ssyncadd.s32 $0xFFFFC000  }
0xbf: {  	[hbm4b:s22+s2] =	stream.linear.scatter [tilespmem:s12], [sflag:$0x8], $0x4000, $0x38;
	[tilespmem:$0x18580] =	vst v63  }
0xc0: {  	_ =	swait.ge [sflag:s17], $0x4000  }
0xc1: {  	[sflag:s17] =	ssyncset.done $0x0  }
0xc2: {  	s22 =	rddreg [dreg:$0xc];
	[sflag:s17] =	ssyncadd.s32 $0xFFFFC000  }
0xc3: {  	[hbm4b:s22+s2] =	stream.linear.scatter [tilespmem:s11], [sflag:$0x9], $0x4000, $0x38;
	[tilespmem:$0x18580] =	vst v63  }
0xc4: {  	_ =	swait.ge [sflag:s15], $0x4000  }
0xc5: {  	[sflag:s15] =	ssyncset.done $0x0  }
0xc6: {  	s22 =	rddreg [dreg:$0xd];
	[sflag:s15] =	ssyncadd.s32 $0xFFFFC000  }
0xc7: {  	[hbm4b:s22+s2] =	stream.linear.scatter [tilespmem:s9], [sflag:$0xA], $0x4000, $0x38;
	[tilespmem:$0x18580] =	vst v63  }
0xc8: {  	_ =	swait.ge [sflag:s14], $0x4000  }
0xc9: {  	[sflag:s14] =	ssyncset.done $0x0  }
0xca: {  	s22 =	rddreg [dreg:$0xe];
	[sflag:s14] =	ssyncadd.s32 $0xFFFFC000  }
0xcb: {  	[hbm4b:s22+s2] =	stream.linear.scatter [tilespmem:s7], [sflag:$0xB], $0x4000, $0x38;
	[tilespmem:$0x18580] =	vst v63  }
0xcc: {  	_ =	swait.ge [sflag:s19], $0x4000  }
0xcd: {  	[sflag:s19] =	ssyncset.done $0x0  }
0xce: {  	[sflag:s19] =	ssyncadd.s32 $0xFFFFC000  }
0xcf: {  	_ =	swait.ge [sflag:s4], $0x4000  }
0xd0: {  	[sflag:s4] =	ssyncset.done $0x0  }
0xd1: {  	[sflag:s4] =	ssyncadd.s32 $0xFFFFC000  }
0xd2: {  	_ =	swait.ge [sflag:s5], $0x4000  }
0xd3: {  	[sflag:s5] =	ssyncset.done $0x0  }
0xd4: {  	[sflag:s5] =	ssyncadd.s32 $0xFFFFC000  }
0xd5: {  	_ =	swait.ge [sflag:s6], $0x4000  }
0xd6: {  	[sflag:s6] =	ssyncset.done $0x0  }
0xd7: {  	p1 =	sne.s32 s1, $0x1;
	[sflag:s6] =	ssyncadd.s32 $0xFFFFC000  }
.Ltmp2:
0xd8: {  	_ =	swait.ge [sflag:s10], $0x4000;
	(pc) =	sbr.rel @p1 .LBB2_4-.Ltmp2, $4  }
0xd9: {  	[sflag:s10] =	ssyncset.done $0x0  }
0xda: {  	[sflag:s10] =	ssyncadd.s32 $0xFFFFC000  }
0xdb: {  	_ =	swait.ge [sflag:s8], $0x4000  }
0xdc: {  	s1 =	sadd.s32 $0xFFFFFFFF, s1;
	s0 =	rddreg [dreg:$0x3];
	[sflag:s8] =	ssyncset.done $0x0  }
0xdd: {  	s22 =	simm.s32 $0x200  }
0xde: {  	s30 =	simm.s32 $0x280;
	s29 =	simm.s32 $0x300;
	s28 =	simm.s32 $0x380  }
0xdf: {  	s26 =	simm.s32 $0x400;
	s24 =	simm.s32 $0x480;
	s23 =	simm.s32 $0x500  }
.LBB2_6:
0xe0: {  	[sflag:s8] =	ssyncadd.s32 @p0 $0xFFFFC000  }
0xe1: {  	[tilespmem:s2], [sflag:$0xD] =	stream.linear.gather [hbm4b:s0+s2], $0x580, $0x38;
	[tilespmem:$0x18580] =	vst v63  }
0xe2: {  	_ =	swait.ge [sflag:s31], $0x580  }
0xe3: {  	[sflag:s31] =	ssyncset.done $0x0  }
0xe4: {  	[sflag:s31] =	ssyncadd.s32 $0xFFFFFA80  }
0xe5: {  	[tilespmem:s16], [sflag:$0x1] =	stream.indirect.gather [hbm4b:s3+s13], $0x80, s2, s13, $0xb8;
	[tilespmem:$0x18580] =	vst v63  }
0xe6: {  	_ = 	snop  }
0xe7: {  	[tilespmem:s12], [sflag:$0x2] =	stream.indirect.gather [hbm4b:s3+s13], $0x80, s13, s13, $0xb8;
	[tilespmem:$0x18580] =	vst v63  }
0xe8: {  	s31 =	rddreg [dreg:$0xf]  }
0xe9: {  	[tilespmem:s11], [sflag:$0x3] =	stream.indirect.gather [hbm4b:s3+s13], $0x80, s31, s13, $0xb8;
	[tilespmem:$0x18580] =	vst v63  }
0xea: {  	s1 =	rddreg [dreg:$0x10]  }
0xeb: {  	[tilespmem:s9], [sflag:$0x4] =	stream.indirect.gather [hbm4b:s3+s13], $0x80, s1, s13, $0xb8;
	[tilespmem:$0x18580] =	vst v63  }
0xec: {  	_ =	swait.ge [sflag:s20], $0x4000  }
0xed: {  	[sflag:s20] =	ssyncset.done $0x0  }
0xee: {  	s1 =	rddreg [dreg:$0x4];
	[sflag:s20] =	ssyncadd.s32 $0xFFFFC000  }
0xef: {  	[hbm4b:s1+s2] =	stream.linear.scatter [tilespmem:s16], [sflag:$0x7], $0x4000, $0x38;
	[tilespmem:$0x18580] =	vst v63  }
0xf0: {  	_ = 	snop  }
0xf1: {  	[tilespmem:s7], [sflag:$0x5] =	stream.indirect.gather [hbm4b:s3+s13], $0x80, s22, s13, $0xb8;
	[tilespmem:$0x18580] =	vst v63  }
0xf2: {  	_ =	swait.ge [sflag:s18], $0x4000  }
0xf3: {  	[sflag:s18] =	ssyncset.done $0x0  }
0xf4: {  	s22 =	rddreg [dreg:$0x5];
	[sflag:s18] =	ssyncadd.s32 $0xFFFFC000  }
0xf5: {  	[hbm4b:s22+s2] =	stream.linear.scatter [tilespmem:s12], [sflag:$0x8], $0x4000, $0x38;
	[tilespmem:$0x18580] =	vst v63  }
0xf6: {  	_ = 	snop  }
0xf7: {  	[tilespmem:s21], [sflag:$0x6] =	stream.indirect.gather [hbm4b:s3+s13], $0x80, s30, s13, $0xb8;
	[tilespmem:$0x18580] =	vst v63  }
0xf8: {  	_ =	swait.ge [sflag:s17], $0x4000  }
0xf9: {  	[sflag:s17] =	ssyncset.done $0x0  }
0xfa: {  	s30 =	rddreg [dreg:$0x6];
	[sflag:s17] =	ssyncadd.s32 $0xFFFFC000  }
0xfb: {  	[hbm4b:s30+s2] =	stream.linear.scatter [tilespmem:s11], [sflag:$0x9], $0x4000, $0x38;
	[tilespmem:$0x18580] =	vst v63  }
0xfc: {  	_ =	swait.ge [sflag:s4], $0x4000  }
0xfd: {  	[sflag:s4] =	ssyncset.done $0x0  }
0xfe: {  	[sflag:s4] =	ssyncadd.s32 $0xFFFFC000  }
0xff: {  	[tilespmem:s16], [sflag:$0x1] =	stream.indirect.gather [hbm4b:s3+s13], $0x80, s29, s13, $0xb8;
	[tilespmem:$0x18580] =	vst v63  }
0x100: {  	_ =	swait.ge [sflag:s15], $0x4000  }
0x101: {  	[sflag:s15] =	ssyncset.done $0x0  }
0x102: {  	s31 =	rddreg [dreg:$0x7];
	[sflag:s15] =	ssyncadd.s32 $0xFFFFC000  }
0x103: {  	[hbm4b:s31+s2] =	stream.linear.scatter [tilespmem:s9], [sflag:$0xA], $0x4000, $0x38;
	[tilespmem:$0x18580] =	vst v63  }
0x104: {  	_ =	swait.ge [sflag:s5], $0x4000  }
0x105: {  	[sflag:s5] =	ssyncset.done $0x0  }
0x106: {  	[sflag:s5] =	ssyncadd.s32 $0xFFFFC000  }
0x107: {  	[tilespmem:s12], [sflag:$0x2] =	stream.indirect.gather [hbm4b:s3+s13], $0x80, s28, s13, $0xb8;
	[tilespmem:$0x18580] =	vst v63  }
0x108: {  	_ =	swait.ge [sflag:s14], $0x4000  }
0x109: {  	[sflag:s14] =	ssyncset.done $0x0  }
0x10a: {  	s1 =	rddreg [dreg:$0x8];
	[sflag:s14] =	ssyncadd.s32 $0xFFFFC000  }
0x10b: {  	[hbm4b:s1+s2] =	stream.linear.scatter [tilespmem:s7], [sflag:$0xB], $0x4000, $0x38;
	[tilespmem:$0x18580] =	vst v63  }
0x10c: {  	_ =	swait.ge [sflag:s6], $0x4000  }
0x10d: {  	[sflag:s6] =	ssyncset.done $0x0  }
0x10e: {  	[sflag:s6] =	ssyncadd.s32 $0xFFFFC000  }
0x10f: {  	[tilespmem:s11], [sflag:$0x3] =	stream.indirect.gather [hbm4b:s3+s13], $0x80, s26, s13, $0xb8;
	[tilespmem:$0x18580] =	vst v63  }
0x110: {  	_ =	swait.ge [sflag:s25], $0x4000  }
0x111: {  	[sflag:s25] =	ssyncset.done $0x0  }
0x112: {  	s22 =	rddreg [dreg:$0x9];
	[sflag:s25] =	ssyncadd.s32 $0xFFFFC000  }
0x113: {  	[hbm4b:s22+s2] =	stream.linear.scatter [tilespmem:s21], [sflag:$0xC], $0x4000, $0x38;
	[tilespmem:$0x18580] =	vst v63  }
0x114: {  	_ =	swait.ge [sflag:s10], $0x4000  }
0x115: {  	[sflag:s10] =	ssyncset.done $0x0  }
0x116: {  	[sflag:s10] =	ssyncadd.s32 $0xFFFFC000  }
0x117: {  	[tilespmem:s9], [sflag:$0x4] =	stream.indirect.gather [hbm4b:s3+s13], $0x80, s24, s13, $0xb8;
	[tilespmem:$0x18580] =	vst v63  }
0x118: {  	_ =	swait.ge [sflag:s20], $0x4000  }
0x119: {  	[sflag:s20] =	ssyncset.done $0x0  }
0x11a: {  	s25 =	rddreg [dreg:$0xa];
	[sflag:s20] =	ssyncadd.s32 $0xFFFFC000  }
0x11b: {  	[hbm4b:s25+s2] =	stream.linear.scatter [tilespmem:s16], [sflag:$0x7], $0x4000, $0x38;
	[tilespmem:$0x18580] =	vst v63  }
0x11c: {  	_ =	swait.ge [sflag:s8], $0x4000  }
0x11d: {  	[sflag:s8] =	ssyncset.done $0x0  }
0x11e: {  	[sflag:s8] =	ssyncadd.s32 $0xFFFFC000  }
0x11f: {  	[tilespmem:s7], [sflag:$0x5] =	stream.indirect.gather [hbm4b:s3+s13], $0x80, s23, s13, $0xb8;
	[tilespmem:$0x18580] =	vst v63  }
0x120: {  	_ =	swait.ge [sflag:s18], $0x4000  }
0x121: {  	[sflag:s18] =	ssyncset.done $0x0  }
0x122: {  	s26 =	rddreg [dreg:$0xb];
	[sflag:s18] =	ssyncadd.s32 $0xFFFFC000  }
0x123: {  	[hbm4b:s26+s2] =	stream.linear.scatter [tilespmem:s12], [sflag:$0x8], $0x4000, $0x38;
	[tilespmem:$0x18580] =	vst v63  }
0x124: {  	_ =	swait.ge [sflag:s17], $0x4000  }
0x125: {  	[sflag:s17] =	ssyncset.done $0x0  }
0x126: {  	s28 =	rddreg [dreg:$0xc];
	[sflag:s17] =	ssyncadd.s32 $0xFFFFC000  }
0x127: {  	[hbm4b:s28+s2] =	stream.linear.scatter [tilespmem:s11], [sflag:$0x9], $0x4000, $0x38;
	[tilespmem:$0x18580] =	vst v63  }
0x128: {  	_ =	swait.ge [sflag:s15], $0x4000  }
0x129: {  	[sflag:s15] =	ssyncset.done $0x0  }
0x12a: {  	s29 =	rddreg [dreg:$0xd];
	[sflag:s15] =	ssyncadd.s32 $0xFFFFC000  }
0x12b: {  	[hbm4b:s29+s2] =	stream.linear.scatter [tilespmem:s9], [sflag:$0xA], $0x4000, $0x38;
	[tilespmem:$0x18580] =	vst v63  }
0x12c: {  	_ =	swait.ge [sflag:s14], $0x4000  }
0x12d: {  	[sflag:s14] =	ssyncset.done $0x0  }
0x12e: {  	s30 =	rddreg [dreg:$0xe];
	[sflag:s14] =	ssyncadd.s32 $0xFFFFC000  }
0x12f: {  	[hbm4b:s30+s2] =	stream.linear.scatter [tilespmem:s7], [sflag:$0xB], $0x4000, $0x38;
	[tilespmem:$0x18580] =	vst v63  }
0x130: {  	_ =	swait.ge [sflag:s19], $0x4000  }
0x131: {  	[sflag:s19] =	ssyncset.done $0x0  }
0x132: {  	[sflag:s19] =	ssyncadd.s32 $0xFFFFC000  }
0x133: {  	_ =	swait.ge [sflag:s4], $0x4000  }
0x134: {  	[sflag:s4] =	ssyncset.done $0x0  }
0x135: {  	[sflag:s4] =	ssyncadd.s32 $0xFFFFC000  }
0x136: {  	_ =	swait.ge [sflag:s5], $0x4000  }
0x137: {  	[sflag:s5] =	ssyncset.done $0x0  }
0x138: {  	[sflag:s5] =	ssyncadd.s32 $0xFFFFC000  }
0x139: {  	_ =	swait.ge [sflag:s6], $0x4000  }
0x13a: {  	[sflag:s6] =	ssyncset.done $0x0  }
0x13b: {  	[sflag:s6] =	ssyncadd.s32 $0xFFFFC000  }
0x13c: {  	_ =	swait.ge [sflag:s10], $0x4000  }
0x13d: {  	[sflag:s10] =	ssyncset.done $0x0  }
0x13e: {  	[sflag:s10] =	ssyncadd.s32 $0xFFFFC000  }
0x13f: {  	_ =	swait.ge [sflag:s8], $0x4000  }
0x140: {  	[sflag:s8] =	ssyncset.done $0x0  }
0x141: {  	[sflag:s8] =	ssyncadd.s32 $0xFFFFC000  }
0x142: {  	_ =	sfence.sel $0x180000  }
0x143: {  	[bflag:$0x0] =	sbarrier.arrive $0xFFFF  }
0x144: {  	_ =	strace $0x90000047  }
0x145: {  	s31 =	stileid.u32;
	[bflag:$0x2] =	sbarrier.arrive $0xFFFF  }
0x146: {  	p0 =	sne.s32 s31, $0x0;
	s0 =	rddreg [dreg:$0x2]  }
0x147: {  	s0 =	sadd.s32 @!p0 $0x100000, s0  }
0x148: {  	[sflag:s0] =	ssyncadd.tile.s32 @!p0 $0x1;
	_ =	shalt  }
.LBB2_1:
.Ltmp3:
0x149: {  	(pc) =	sbr.rel .LBB2_6-.Ltmp3, $4  }
0x14a: {  	_ = 	snop  }
0x14b: {  	s22 =	simm.s32 $0x200  }
0x14c: {  	s30 =	simm.s32 $0x280;
	s29 =	simm.s32 $0x300;
	s28 =	simm.s32 $0x380  }
0x14d: {  	s26 =	simm.s32 $0x400;
	s24 =	simm.s32 $0x480;
	s23 =	simm.s32 $0x500  }
.LBB2_3:
.Ltmp4:
0x14e: {  	(pc) =	sbr.rel .LBB2_6-.Ltmp4, $4  }
0x14f: {  	_ = 	snop  }
0x150: {  	s22 =	simm.s32 $0x200  }
0x151: {  	s30 =	simm.s32 $0x280;
	s29 =	simm.s32 $0x300;
	s28 =	simm.s32 $0x380  }
0x152: {  	s26 =	simm.s32 $0x400;
	s24 =	simm.s32 $0x480;
	s23 =	simm.s32 $0x500  }
.Lfunc_end2:
_tile_overlayer_lowered:
.L_overlay_start_2:
0x153: {  	(tag) =	ssettag $0x2  }
0x154: {  	s0 =	rddreg [dreg:$0x0];
	s2 =	stileid.u32  }
0x155: {  	s1 =	rddreg [dreg:$0x1];
	p0 =	sne.s32 s2, $0x0  }
0x156: {  	s3 =	rddreg [dreg:$0x2];
	[bflag:$0x3] =	sbarrier.arrive $0xFFFF;
	s2 =	simm.s32 @!p0 $0x1C0D  }
0x157: {  	[timem:s3], [sflag:s2] =	dma.local @!p0 [hbm:s0], s1  }
0x158: {  	s0 =	simm.s32 @!p0 $0xD  }
0x159: {  	_ =	swait.ge @!p0 [sflag:s0], s1  }
0x15a: {  	s1 =	ssub.s32 @!p0 $0x0, s1;
	[sflag:s0] =	ssyncset.done @!p0 $0x0  }
0x15b: {  	[sflag:s0] =	ssyncadd.s32 @!p0 s1  }
0x15c: {  	[bflag:$0x3] =	sbarrier.arrive $0xFFFF  }
0x15d: {  	_ =	shalt  }

</sc_bundles>
